<compile_context>
chip_gen: v7x
topology: tpu7x:2x2x1
jax: 0.10.2.dev20260603
libtpu: 0.0.44.dev20260713+nightly
codegen_flags: <defaults>
</compile_context>

<pallas_src>
import functools

import jax
import jax.numpy as jnp
from jax import lax
from jax.experimental import pallas as pl
from jax.experimental.pallas import tpu as pltpu
from jax.experimental.pallas import tpu_sc as plsc

NC, NS, L = 2, 16, 16
NW = NC * NS
NBUF = 4


def _build_comb(segment_table, pe2):
    NSEG, D = segment_table.shape
    S = pe2.shape[0]

    def comb_tc(seg_ref, pe_ref, out_ref):
        for g in range(NSEG):
            out_ref[g * S:(g + 1) * S, :] = (
                pe_ref[...] + seg_ref[g, :][None, :])

    return pl.pallas_call(
        comb_tc,
        out_shape=jax.ShapeDtypeStruct((NSEG * S, D), jnp.float32),
    )(segment_table, pe2)


def _make_sc_kernel(B, S, D, NSEG):
    ROWS = B * S
    CHUNK = S
    RPW = ROWS // NW
    NCHUNK = RPW // CHUNK
    NITER = NCHUNK // NBUF

    mesh = plsc.VectorSubcoreMesh(
        core_axis_name="c", subcore_axis_name="s", num_cores=NC, num_subcores=NS
    )

    @functools.partial(
        pl.kernel,
        out_type=jax.ShapeDtypeStruct((ROWS, D), jnp.float32),
        mesh=mesh,
        scratch_types=[
            pltpu.VMEM((RPW,), jnp.int32),
            pltpu.VMEM((RPW,), jnp.int32),
            pltpu.VMEM((NBUF * CHUNK,), jnp.int32),
            pltpu.VMEM_SHARED((NSEG * S, D), jnp.float32),
            [pltpu.VMEM((CHUNK, D), jnp.float32) for _ in range(NBUF)],
            [pltpu.SemaphoreType.DMA for _ in range(NBUF)],
            [pltpu.SemaphoreType.DMA for _ in range(NBUF)],
        ],
    )
    def sc_kernel(ids_hbm, seg_hbm, tok_hbm, comb_hbm, out_hbm,
                  idx_all, sidx_all, crow, comb_sh, bufs, gsems, osems):
        wid = lax.axis_index("s") * NC + lax.axis_index("c")
        tbase = wid * RPW
        pltpu.sync_copy(ids_hbm.at[pl.ds(tbase, RPW)], idx_all)
        pltpu.sync_copy(seg_hbm.at[pl.ds(tbase, RPW)], sidx_all)

        @pl.when(lax.axis_index("s") == 0)
        def _():
            pltpu.sync_copy(comb_hbm, comb_sh)

        plsc.subcore_barrier()

        def iter_body(i, carry):
            c0 = i * NBUF
            for k in range(NBUF):
                c = c0 + k

                @pl.when(i > 0)
                def _():
                    pltpu.make_async_copy(
                        bufs[k], out_hbm.at[pl.ds(0, CHUNK)], osems[k]).wait()

                for jg in range(CHUNK // L):
                    j0 = jg * L
                    segv = sidx_all[pl.ds(c * CHUNK + j0, L)]
                    crow[pl.ds(k * CHUNK + j0, L)] = (
                        segv * S + (j0 + lax.iota(jnp.int32, L)))
                pltpu.async_copy(
                    comb_sh.at[crow.at[pl.ds(k * CHUNK, CHUNK)]],
                    bufs[k], gsems[k])
            for k in range(NBUF):
                c = c0 + k
                pltpu.make_async_copy(
                    comb_sh.at[crow.at[pl.ds(k * CHUNK, CHUNK)]],
                    bufs[k], gsems[k]).wait()
                pltpu.async_copy(
                    tok_hbm.at[idx_all.at[pl.ds(c * CHUNK, CHUNK)]],
                    bufs[k], gsems[k], add=True)
            for k in range(NBUF):
                c = c0 + k
                pltpu.make_async_copy(
                    tok_hbm.at[idx_all.at[pl.ds(c * CHUNK, CHUNK)]],
                    bufs[k], gsems[k]).wait()
                pltpu.async_copy(
                    bufs[k], out_hbm.at[pl.ds(tbase + c * CHUNK, CHUNK)],
                    osems[k])
            return carry

        lax.fori_loop(0, NITER, iter_body, 0, unroll=False)
        for k in range(NBUF):
            pltpu.make_async_copy(
                bufs[k], out_hbm.at[pl.ds(0, CHUNK)], osems[k]).wait()

    return sc_kernel


def kernel(ids, segment_label, token_table, segment_table, pe):
    B, S = ids.shape
    V, D = token_table.shape
    NSEG = segment_table.shape[0]
    ids_f = ids.reshape(-1).astype(jnp.int32)
    seg_f = segment_label.reshape(-1).astype(jnp.int32)
    pe2 = pe.reshape(S, D).astype(jnp.float32)
    comb = _build_comb(segment_table.astype(jnp.float32), pe2)
    sc = _make_sc_kernel(B, S, D, NSEG)
    out = sc(ids_f, seg_f, token_table, comb)
    return out.reshape(B, S, D)

# --- scband reference (transcript-rebuilt; emitter-appended) ---
"""Pipeline reference for scband-bertembeddings-73486890434770 (READ-ONLY COPY).

The authoritative reference and input builder live on the scoring server;
editing this copy changes nothing except your own understanding.
"""

import jax, jax.numpy as jnp
import numpy as np

B, S, D, V = 1024, 128, 128, 100000

def make_pe(max_len, d_model):
    pos = np.arange(max_len, dtype=np.float64)[:, None]
    i = np.arange(0, d_model, 2, dtype=np.float64)[None, :]
    pe = np.zeros((max_len, d_model), dtype=np.float64)
    pe[:, 0::2] = np.sin(pos / (10000.0 ** (i / d_model)))
    pe[:, 1::2] = np.cos(pos / (10000.0 ** ((i + 1.0) / d_model)))
    return jnp.asarray(pe, dtype=jnp.float32)[None]  # [1, max_len, d_model]

def setup_inputs(seed: int = 0) -> dict:
    key = jax.random.key(seed)
    k1, k2, k3, k4 = jax.random.split(key, 4)
    ids = jax.random.randint(k1, (B, S), 0, V, dtype=jnp.int64)
    segment_label = jax.random.randint(k2, (B, S), 0, 3, dtype=jnp.int64)
    token_table = jax.random.normal(k3, (V, D), dtype=jnp.float32) * 0.02
    token_table = token_table.at[0].set(0.0)  # padding_idx=0
    segment_table = jax.random.normal(k4, (3, D), dtype=jnp.float32) * 0.02
    segment_table = segment_table.at[0].set(0.0)  # padding_idx=0
    pe = make_pe(S, D)
    return {"ids": ids, "segment_label": segment_label,
            "token_table": token_table, "segment_table": segment_table, "pe": pe}

def reference(ids, segment_label, token_table, segment_table, pe):
    # BERTEmbeddings.forward (dropout in eval mode = identity)
    tok = jnp.take(token_table, ids, axis=0)            # [B, S, D]
    seg = jnp.take(segment_table, segment_label, axis=0)  # [B, S, D]
    x = tok + seg + pe                                   # pe broadcasts [1, S, D]
    return x

if __name__ == "__main__":
    import jax
    _d = setup_inputs()
    print(jax.jit(kernel)(*tuple(_d.values())))

</pallas_src>

<mosaic_0001>
#map = affine_map<(d0, d1) -> (0)>
#map1 = affine_map<(d0, d1) -> (0, 0)>
module attributes {stable_mosaic.version = 14 : i64} {
  func.func @sc_kernel(%arg0: i32, %arg1: i32, %arg2: memref<131072xi32, #tpu.memory_space<hbm>>, %arg3: memref<131072xi32, #tpu.memory_space<hbm>>, %arg4: memref<100000x128xf32, #tpu.memory_space<hbm>>, %arg5: memref<384x128xf32, #tpu.memory_space<hbm>>, %arg6: memref<131072x128xf32, #tpu.memory_space<hbm>>, %arg7: memref<4096xi32, #tpu.memory_space<vmem>>, %arg8: memref<4096xi32, #tpu.memory_space<vmem>>, %arg9: memref<512xi32, #tpu.memory_space<vmem>>, %arg10: memref<384x128xf32, #tpu.memory_space<vmem_shared>>, %arg11: memref<128x128xf32, #tpu.memory_space<vmem>>, %arg12: memref<128x128xf32, #tpu.memory_space<vmem>>, %arg13: memref<128x128xf32, #tpu.memory_space<vmem>>, %arg14: memref<128x128xf32, #tpu.memory_space<vmem>>, %arg15: memref<!tpu.dma_semaphore, #tpu.memory_space<semaphore_mem>>, %arg16: memref<!tpu.dma_semaphore, #tpu.memory_space<semaphore_mem>>, %arg17: memref<!tpu.dma_semaphore, #tpu.memory_space<semaphore_mem>>, %arg18: memref<!tpu.dma_semaphore, #tpu.memory_space<semaphore_mem>>, %arg19: memref<!tpu.dma_semaphore, #tpu.memory_space<semaphore_mem>>, %arg20: memref<!tpu.dma_semaphore, #tpu.memory_space<semaphore_mem>>, %arg21: memref<!tpu.dma_semaphore, #tpu.memory_space<semaphore_mem>>, %arg22: memref<!tpu.dma_semaphore, #tpu.memory_space<semaphore_mem>>) attributes {dimension_semantics = [#tpu.dimension_semantics<core_parallel>, #tpu.dimension_semantics<subcore_parallel>], iteration_bounds = array<i64: 2, 16>, scalar_prefetch = 0 : i64, scratch_operands = 16 : i64, tpu.core_type = #tpu.core_type<sc_vector_subcore>, window_params = [{transform_indices = #map}, {transform_indices = #map}, {transform_indices = #map1}, {transform_indices = #map1}, {transform_indices = #map1}]} {
    %mul3A = arith.constant 2 : i32
    %mul3A_0 = arith.muli %arg1, %mul3A : i32
    %add3A = arith.addi %mul3A_0, %arg0 : i32
    %mul3A_1 = arith.constant 4096 : i32
    %mul3A_2 = arith.muli %add3A, %mul3A_1 : i32
    "tpu.region"() ({
      %run_scoped3A = tpu.sem_alloc : memref<!tpu.dma_semaphore, #tpu.memory_space<semaphore_mem>>
      %dma_start3A = tpu.memref_slice %arg2[%mul3A_2] : memref<131072xi32, #tpu.memory_space<hbm>> -> memref<4096xi32, #tpu.memory_space<hbm>>
      %dma_start3A_33 = tpu.memref_slice %arg2[%mul3A_2] : memref<131072xi32, #tpu.memory_space<hbm>> -> memref<4096xi32, #tpu.memory_space<hbm>>
      tpu.enqueue_dma source(%dma_start3A_33 : memref<4096xi32, #tpu.memory_space<hbm>>) target(%arg7 : memref<4096xi32, #tpu.memory_space<vmem>>) target_semaphore(%run_scoped3A : memref<!tpu.dma_semaphore, #tpu.memory_space<semaphore_mem>>)
      %dma_wait3A_34 = tpu.memref_slice %arg2[%mul3A_2] : memref<131072xi32, #tpu.memory_space<hbm>> -> memref<4096xi32, #tpu.memory_space<hbm>>
      %dma_wait3A_35 = tpu.memref_slice %arg2[%mul3A_2] : memref<131072xi32, #tpu.memory_space<hbm>> -> memref<4096xi32, #tpu.memory_space<hbm>>
      tpu.wait_dma2 semaphore(%run_scoped3A : memref<!tpu.dma_semaphore, #tpu.memory_space<semaphore_mem>>) src(%dma_wait3A_35 : memref<4096xi32, #tpu.memory_space<hbm>>) dst(%arg7 : memref<4096xi32, #tpu.memory_space<vmem>>)
      tpu.yield
    }) : () -> ()
    "tpu.region"() ({
      %run_scoped3A = tpu.sem_alloc : memref<!tpu.dma_semaphore, #tpu.memory_space<semaphore_mem>>
      %dma_start3A = tpu.memref_slice %arg3[%mul3A_2] : memref<131072xi32, #tpu.memory_space<hbm>> -> memref<4096xi32, #tpu.memory_space<hbm>>
      %dma_start3A_33 = tpu.memref_slice %arg3[%mul3A_2] : memref<131072xi32, #tpu.memory_space<hbm>> -> memref<4096xi32, #tpu.memory_space<hbm>>
      tpu.enqueue_dma source(%dma_start3A_33 : memref<4096xi32, #tpu.memory_space<hbm>>) target(%arg8 : memref<4096xi32, #tpu.memory_space<vmem>>) target_semaphore(%run_scoped3A : memref<!tpu.dma_semaphore, #tpu.memory_space<semaphore_mem>>)
      %dma_wait3A_34 = tpu.memref_slice %arg3[%mul3A_2] : memref<131072xi32, #tpu.memory_space<hbm>> -> memref<4096xi32, #tpu.memory_space<hbm>>
      %dma_wait3A_35 = tpu.memref_slice %arg3[%mul3A_2] : memref<131072xi32, #tpu.memory_space<hbm>> -> memref<4096xi32, #tpu.memory_space<hbm>>
      tpu.wait_dma2 semaphore(%run_scoped3A : memref<!tpu.dma_semaphore, #tpu.memory_space<semaphore_mem>>) src(%dma_wait3A_35 : memref<4096xi32, #tpu.memory_space<hbm>>) dst(%arg8 : memref<4096xi32, #tpu.memory_space<vmem>>)
      tpu.yield
    }) : () -> ()
    %eq3A = arith.constant 0 : i32
    %eq3A_3 = arith.cmpi eq, %arg1, %eq3A : i32
    %convert_element_type3A = arith.extui %eq3A_3 : i1 to i32
    %cond3A = arith.constant 0 : i32
    %cond3A_4 = arith.cmpi ne, %convert_element_type3A, %cond3A : i32
    scf.if %cond3A_4 {
      "tpu.region"() ({
        %run_scoped3A = tpu.sem_alloc : memref<!tpu.dma_semaphore, #tpu.memory_space<semaphore_mem>>
        tpu.enqueue_dma source(%arg5 : memref<384x128xf32, #tpu.memory_space<hbm>>) target(%arg10 : memref<384x128xf32, #tpu.memory_space<vmem_shared>>) target_semaphore(%run_scoped3A : memref<!tpu.dma_semaphore, #tpu.memory_space<semaphore_mem>>)
        tpu.wait_dma2 semaphore(%run_scoped3A : memref<!tpu.dma_semaphore, #tpu.memory_space<semaphore_mem>>) src(%arg5 : memref<384x128xf32, #tpu.memory_space<hbm>>) dst(%arg10 : memref<384x128xf32, #tpu.memory_space<vmem_shared>>)
        tpu.yield
      }) : () -> ()
    } else {
    }
    %barrier3A = arith.constant 0 : index
    tpu.barrier barrier_id(%barrier3A)
    %scan3A = arith.constant 0 : i32
    %scan3A_5 = arith.constant 0 : i32
    %scan3A_6 = arith.constant 8 : i32
    %scan3A_7 = arith.addi %scan3A_5, %scan3A_6 : i32
    %scan3A_8 = arith.constant 1 : i32
    scf.for %scan3A_33 = %scan3A_5 to %scan3A_7 step %scan3A_8  : i32 {
      %mul3A_34 = arith.constant 4 : i32
      %mul3A_35 = arith.muli %scan3A_33, %mul3A_34 : i32
      %add3A_36 = arith.constant 0 : i32
      %add3A_37 = arith.addi %mul3A_35, %add3A_36 : i32
      %gt3A = arith.constant 0 : i32
      %gt3A_38 = arith.cmpi sgt, %scan3A_33, %gt3A : i32
      %convert_element_type3A_39 = arith.extui %gt3A_38 : i1 to i32
      %cond3A_40 = arith.constant 0 : i32
      %cond3A_41 = arith.cmpi ne, %convert_element_type3A_39, %cond3A_40 : i32
      scf.if %cond3A_41 {
        %dma_wait3A_799 = arith.constant 0 : i32
        %dma_wait3A_800 = arith.constant 0 : i32
        %dma_wait3A_801 = tpu.memref_slice %arg6[%dma_wait3A_799, %dma_wait3A_800] : memref<131072x128xf32, #tpu.memory_space<hbm>> -> memref<128x128xf32, #tpu.memory_space<hbm>>
        %dma_wait3A_802 = arith.constant 0 : i32
        %dma_wait3A_803 = arith.constant 0 : i32
        %dma_wait3A_804 = tpu.memref_slice %arg6[%dma_wait3A_802, %dma_wait3A_803] : memref<131072x128xf32, #tpu.memory_space<hbm>> -> memref<128x128xf32, #tpu.memory_space<hbm>>
        tpu.wait_dma2 semaphore(%arg19 : memref<!tpu.dma_semaphore, #tpu.memory_space<semaphore_mem>>) src(%arg11 : memref<128x128xf32, #tpu.memory_space<vmem>>) dst(%dma_wait3A_804 : memref<128x128xf32, #tpu.memory_space<hbm>>)
      } else {
      }
      %mul3A_42 = arith.constant 128 : i32
      %mul3A_43 = arith.muli %add3A_37, %mul3A_42 : i32
      %add3A_44 = arith.constant 0 : i32
      %add3A_45 = arith.addi %mul3A_43, %add3A_44 : i32
      %get3A = arith.index_cast %add3A_45 : i32 to index
      %get3A_46 = tpu.vector_load %arg8[%get3A] {strides = array<i32>} : memref<4096xi32, #tpu.memory_space<vmem>>, vector<16xi32>,
      %get3A_47 = vector.shape_cast %get3A_46 : vector<16xi32> to vector<16xi32>
      %mul3A_48 = arith.constant 128 : i32
      %mul3A_49 = vector.broadcast %mul3A_48 : i32 to vector<16xi32>
      %mul3A_50 = arith.muli %get3A_47, %mul3A_49 : vector<16xi32>
      %iota3A = tpu.iota {dimensions = array<i32: 0>} : vector<16xi32>
      %add3A_51 = arith.constant 0 : i32
      %add3A_52 = vector.broadcast %add3A_51 : i32 to vector<16xi32>
      %add3A_53 = arith.addi %add3A_52, %iota3A : vector<16xi32>
      %add3A_54 = arith.addi %mul3A_50, %add3A_53 : vector<16xi32>
      %swap3A = arith.constant 0 : index
      %swap3A_55 = tpu.vector_load %arg9[%swap3A] {strides = array<i32>} : memref<512xi32, #tpu.memory_space<vmem>>, vector<16xi32>,
      %swap3A_56 = vector.shape_cast %swap3A_55 : vector<16xi32> to vector<16xi32>
      %swap3A_57 = vector.shape_cast %add3A_54 : vector<16xi32> to vector<16xi32>
      tpu.vector_store %arg9[%swap3A], %swap3A_57 {strides = array<i32>} : memref<512xi32, #tpu.memory_space<vmem>>, vector<16xi32>,
      %mul3A_58 = arith.constant 128 : i32
      %mul3A_59 = arith.muli %add3A_37, %mul3A_58 : i32
      %add3A_60 = arith.constant 16 : i32
      %add3A_61 = arith.addi %mul3A_59, %add3A_60 : i32
      %get3A_62 = arith.index_cast %add3A_61 : i32 to index
      %get3A_63 = tpu.vector_load %arg8[%get3A_62] {strides = array<i32>} : memref<4096xi32, #tpu.memory_space<vmem>>, vector<16xi32>,
      %get3A_64 = vector.shape_cast %get3A_63 : vector<16xi32> to vector<16xi32>
      %mul3A_65 = arith.constant 128 : i32
      %mul3A_66 = vector.broadcast %mul3A_65 : i32 to vector<16xi32>
      %mul3A_67 = arith.muli %get3A_64, %mul3A_66 : vector<16xi32>
      %iota3A_68 = tpu.iota {dimensions = array<i32: 0>} : vector<16xi32>
      %add3A_69 = arith.constant 16 : i32
      %add3A_70 = vector.broadcast %add3A_69 : i32 to vector<16xi32>
      %add3A_71 = arith.addi %add3A_70, %iota3A_68 : vector<16xi32>
      %add3A_72 = arith.addi %mul3A_67, %add3A_71 : vector<16xi32>
      %swap3A_73 = arith.constant 16 : index
      %swap3A_74 = tpu.vector_load %arg9[%swap3A_73] {strides = array<i32>} : memref<512xi32, #tpu.memory_space<vmem>>, vector<16xi32>,
      %swap3A_75 = vector.shape_cast %swap3A_74 : vector<16xi32> to vector<16xi32>
      %swap3A_76 = vector.shape_cast %add3A_72 : vector<16xi32> to vector<16xi32>
      tpu.vector_store %arg9[%swap3A_73], %swap3A_76 {strides = array<i32>} : memref<512xi32, #tpu.memory_space<vmem>>, vector<16xi32>,
      %mul3A_77 = arith.constant 128 : i32
      %mul3A_78 = arith.muli %add3A_37, %mul3A_77 : i32
      %add3A_79 = arith.constant 32 : i32
      %add3A_80 = arith.addi %mul3A_78, %add3A_79 : i32
      %get3A_81 = arith.index_cast %add3A_80 : i32 to index
      %get3A_82 = tpu.vector_load %arg8[%get3A_81] {strides = array<i32>} : memref<4096xi32, #tpu.memory_space<vmem>>, vector<16xi32>,
      %get3A_83 = vector.shape_cast %get3A_82 : vector<16xi32> to vector<16xi32>
      %mul3A_84 = arith.constant 128 : i32
      %mul3A_85 = vector.broadcast %mul3A_84 : i32 to vector<16xi32>
      %mul3A_86 = arith.muli %get3A_83, %mul3A_85 : vector<16xi32>
      %iota3A_87 = tpu.iota {dimensions = array<i32: 0>} : vector<16xi32>
      %add3A_88 = arith.constant 32 : i32
      %add3A_89 = vector.broadcast %add3A_88 : i32 to vector<16xi32>
      %add3A_90 = arith.addi %add3A_89, %iota3A_87 : vector<16xi32>
      %add3A_91 = arith.addi %mul3A_86, %add3A_90 : vector<16xi32>
      %swap3A_92 = arith.constant 32 : index
      %swap3A_93 = tpu.vector_load %arg9[%swap3A_92] {strides = array<i32>} : memref<512xi32, #tpu.memory_space<vmem>>, vector<16xi32>,
      %swap3A_94 = vector.shape_cast %swap3A_93 : vector<16xi32> to vector<16xi32>
      %swap3A_95 = vector.shape_cast %add3A_91 : vector<16xi32> to vector<16xi32>
      tpu.vector_store %arg9[%swap3A_92], %swap3A_95 {strides = array<i32>} : memref<512xi32, #tpu.memory_space<vmem>>, vector<16xi32>,
      %mul3A_96 = arith.constant 128 : i32
      %mul3A_97 = arith.muli %add3A_37, %mul3A_96 : i32
      %add3A_98 = arith.constant 48 : i32
      %add3A_99 = arith.addi %mul3A_97, %add3A_98 : i32
      %get3A_100 = arith.index_cast %add3A_99 : i32 to index
      %get3A_101 = tpu.vector_load %arg8[%get3A_100] {strides = array<i32>} : memref<4096xi32, #tpu.memory_space<vmem>>, vector<16xi32>,
      %get3A_102 = vector.shape_cast %get3A_101 : vector<16xi32> to vector<16xi32>
      %mul3A_103 = arith.constant 128 : i32
      %mul3A_104 = vector.broadcast %mul3A_103 : i32 to vector<16xi32>
      %mul3A_105 = arith.muli %get3A_102, %mul3A_104 : vector<16xi32>
      %iota3A_106 = tpu.iota {dimensions = array<i32: 0>} : vector<16xi32>
      %add3A_107 = arith.constant 48 : i32
      %add3A_108 = vector.broadcast %add3A_107 : i32 to vector<16xi32>
      %add3A_109 = arith.addi %add3A_108, %iota3A_106 : vector<16xi32>
      %add3A_110 = arith.addi %mul3A_105, %add3A_109 : vector<16xi32>
      %swap3A_111 = arith.constant 48 : index
      %swap3A_112 = tpu.vector_load %arg9[%swap3A_111] {strides = array<i32>} : memref<512xi32, #tpu.memory_space<vmem>>, vector<16xi32>,
      %swap3A_113 = vector.shape_cast %swap3A_112 : vector<16xi32> to vector<16xi32>
      %swap3A_114 = vector.shape_cast %add3A_110 : vector<16xi32> to vector<16xi32>
      tpu.vector_store %arg9[%swap3A_111], %swap3A_114 {strides = array<i32>} : memref<512xi32, #tpu.memory_space<vmem>>, vector<16xi32>,
      %mul3A_115 = arith.constant 128 : i32
      %mul3A_116 = arith.muli %add3A_37, %mul3A_115 : i32
      %add3A_117 = arith.constant 64 : i32
      %add3A_118 = arith.addi %mul3A_116, %add3A_117 : i32
      %get3A_119 = arith.index_cast %add3A_118 : i32 to index
      %get3A_120 = tpu.vector_load %arg8[%get3A_119] {strides = array<i32>} : memref<4096xi32, #tpu.memory_space<vmem>>, vector<16xi32>,
      %get3A_121 = vector.shape_cast %get3A_120 : vector<16xi32> to vector<16xi32>
      %mul3A_122 = arith.constant 128 : i32
      %mul3A_123 = vector.broadcast %mul3A_122 : i32 to vector<16xi32>
      %mul3A_124 = arith.muli %get3A_121, %mul3A_123 : vector<16xi32>
      %iota3A_125 = tpu.iota {dimensions = array<i32: 0>} : vector<16xi32>
      %add3A_126 = arith.constant 64 : i32
      %add3A_127 = vector.broadcast %add3A_126 : i32 to vector<16xi32>
      %add3A_128 = arith.addi %add3A_127, %iota3A_125 : vector<16xi32>
      %add3A_129 = arith.addi %mul3A_124, %add3A_128 : vector<16xi32>
      %swap3A_130 = arith.constant 64 : index
      %swap3A_131 = tpu.vector_load %arg9[%swap3A_130] {strides = array<i32>} : memref<512xi32, #tpu.memory_space<vmem>>, vector<16xi32>,
      %swap3A_132 = vector.shape_cast %swap3A_131 : vector<16xi32> to vector<16xi32>
      %swap3A_133 = vector.shape_cast %add3A_129 : vector<16xi32> to vector<16xi32>
      tpu.vector_store %arg9[%swap3A_130], %swap3A_133 {strides = array<i32>} : memref<512xi32, #tpu.memory_space<vmem>>, vector<16xi32>,
      %mul3A_134 = arith.constant 128 : i32
      %mul3A_135 = arith.muli %add3A_37, %mul3A_134 : i32
      %add3A_136 = arith.constant 80 : i32
      %add3A_137 = arith.addi %mul3A_135, %add3A_136 : i32
      %get3A_138 = arith.index_cast %add3A_137 : i32 to index
      %get3A_139 = tpu.vector_load %arg8[%get3A_138] {strides = array<i32>} : memref<4096xi32, #tpu.memory_space<vmem>>, vector<16xi32>,
      %get3A_140 = vector.shape_cast %get3A_139 : vector<16xi32> to vector<16xi32>
      %mul3A_141 = arith.constant 128 : i32
      %mul3A_142 = vector.broadcast %mul3A_141 : i32 to vector<16xi32>
      %mul3A_143 = arith.muli %get3A_140, %mul3A_142 : vector<16xi32>
      %iota3A_144 = tpu.iota {dimensions = array<i32: 0>} : vector<16xi32>
      %add3A_145 = arith.constant 80 : i32
      %add3A_146 = vector.broadcast %add3A_145 : i32 to vector<16xi32>
      %add3A_147 = arith.addi %add3A_146, %iota3A_144 : vector<16xi32>
      %add3A_148 = arith.addi %mul3A_143, %add3A_147 : vector<16xi32>
      %swap3A_149 = arith.constant 80 : index
      %swap3A_150 = tpu.vector_load %arg9[%swap3A_149] {strides = array<i32>} : memref<512xi32, #tpu.memory_space<vmem>>, vector<16xi32>,
      %swap3A_151 = vector.shape_cast %swap3A_150 : vector<16xi32> to vector<16xi32>
      %swap3A_152 = vector.shape_cast %add3A_148 : vector<16xi32> to vector<16xi32>
      tpu.vector_store %arg9[%swap3A_149], %swap3A_152 {strides = array<i32>} : memref<512xi32, #tpu.memory_space<vmem>>, vector<16xi32>,
      %mul3A_153 = arith.constant 128 : i32
      %mul3A_154 = arith.muli %add3A_37, %mul3A_153 : i32
      %add3A_155 = arith.constant 96 : i32
      %add3A_156 = arith.addi %mul3A_154, %add3A_155 : i32
      %get3A_157 = arith.index_cast %add3A_156 : i32 to index
      %get3A_158 = tpu.vector_load %arg8[%get3A_157] {strides = array<i32>} : memref<4096xi32, #tpu.memory_space<vmem>>, vector<16xi32>,
      %get3A_159 = vector.shape_cast %get3A_158 : vector<16xi32> to vector<16xi32>
      %mul3A_160 = arith.constant 128 : i32
      %mul3A_161 = vector.broadcast %mul3A_160 : i32 to vector<16xi32>
      %mul3A_162 = arith.muli %get3A_159, %mul3A_161 : vector<16xi32>
      %iota3A_163 = tpu.iota {dimensions = array<i32: 0>} : vector<16xi32>
      %add3A_164 = arith.constant 96 : i32
      %add3A_165 = vector.broadcast %add3A_164 : i32 to vector<16xi32>
      %add3A_166 = arith.addi %add3A_165, %iota3A_163 : vector<16xi32>
      %add3A_167 = arith.addi %mul3A_162, %add3A_166 : vector<16xi32>
      %swap3A_168 = arith.constant 96 : index
      %swap3A_169 = tpu.vector_load %arg9[%swap3A_168] {strides = array<i32>} : memref<512xi32, #tpu.memory_space<vmem>>, vector<16xi32>,
      %swap3A_170 = vector.shape_cast %swap3A_169 : vector<16xi32> to vector<16xi32>
      %swap3A_171 = vector.shape_cast %add3A_167 : vector<16xi32> to vector<16xi32>
      tpu.vector_store %arg9[%swap3A_168], %swap3A_171 {strides = array<i32>} : memref<512xi32, #tpu.memory_space<vmem>>, vector<16xi32>,
      %mul3A_172 = arith.constant 128 : i32
      %mul3A_173 = arith.muli %add3A_37, %mul3A_172 : i32
      %add3A_174 = arith.constant 112 : i32
      %add3A_175 = arith.addi %mul3A_173, %add3A_174 : i32
      %get3A_176 = arith.index_cast %add3A_175 : i32 to index
      %get3A_177 = tpu.vector_load %arg8[%get3A_176] {strides = array<i32>} : memref<4096xi32, #tpu.memory_space<vmem>>, vector<16xi32>,
      %get3A_178 = vector.shape_cast %get3A_177 : vector<16xi32> to vector<16xi32>
      %mul3A_179 = arith.constant 128 : i32
      %mul3A_180 = vector.broadcast %mul3A_179 : i32 to vector<16xi32>
      %mul3A_181 = arith.muli %get3A_178, %mul3A_180 : vector<16xi32>
      %iota3A_182 = tpu.iota {dimensions = array<i32: 0>} : vector<16xi32>
      %add3A_183 = arith.constant 112 : i32
      %add3A_184 = vector.broadcast %add3A_183 : i32 to vector<16xi32>
      %add3A_185 = arith.addi %add3A_184, %iota3A_182 : vector<16xi32>
      %add3A_186 = arith.addi %mul3A_181, %add3A_185 : vector<16xi32>
      %swap3A_187 = arith.constant 112 : index
      %swap3A_188 = tpu.vector_load %arg9[%swap3A_187] {strides = array<i32>} : memref<512xi32, #tpu.memory_space<vmem>>, vector<16xi32>,
      %swap3A_189 = vector.shape_cast %swap3A_188 : vector<16xi32> to vector<16xi32>
      %swap3A_190 = vector.shape_cast %add3A_186 : vector<16xi32> to vector<16xi32>
      tpu.vector_store %arg9[%swap3A_187], %swap3A_190 {strides = array<i32>} : memref<512xi32, #tpu.memory_space<vmem>>, vector<16xi32>,
      %dma_start3A = arith.constant 0 : i32
      %dma_start3A_191 = tpu.memref_slice %arg9[%dma_start3A] : memref<512xi32, #tpu.memory_space<vmem>> -> memref<128xi32, #tpu.memory_space<vmem>>
      %dma_start3A_192 = arith.constant 0 : i32
      %dma_start3A_193 = arith.constant 0 : i32
      %dma_start3A_194 = tpu.memref_slice %arg10[%dma_start3A_192, %dma_start3A_193] : memref<384x128xf32, #tpu.memory_space<vmem_shared>> -> memref<384x128xf32, #tpu.memory_space<vmem_shared>>
      tpu.enqueue_indirect_dma source(%dma_start3A_194 : memref<384x128xf32, #tpu.memory_space<vmem_shared>>) target(%arg11 : memref<128x128xf32, #tpu.memory_space<vmem>>) offsets(%dma_start3A_191 : memref<128xi32, #tpu.memory_space<vmem>>) semaphore(%arg15 : memref<!tpu.dma_semaphore, #tpu.memory_space<semaphore_mem>>)
      %add3A_195 = arith.constant 1 : i32
      %add3A_196 = arith.addi %mul3A_35, %add3A_195 : i32
      %gt3A_197 = arith.constant 0 : i32
      %gt3A_198 = arith.cmpi sgt, %scan3A_33, %gt3A_197 : i32
      %convert_element_type3A_199 = arith.extui %gt3A_198 : i1 to i32
      %cond3A_200 = arith.constant 0 : i32
      %cond3A_201 = arith.cmpi ne, %convert_element_type3A_199, %cond3A_200 : i32
      scf.if %cond3A_201 {
        %dma_wait3A_799 = arith.constant 0 : i32
        %dma_wait3A_800 = arith.constant 0 : i32
        %dma_wait3A_801 = tpu.memref_slice %arg6[%dma_wait3A_799, %dma_wait3A_800] : memref<131072x128xf32, #tpu.memory_space<hbm>> -> memref<128x128xf32, #tpu.memory_space<hbm>>
        %dma_wait3A_802 = arith.constant 0 : i32
        %dma_wait3A_803 = arith.constant 0 : i32
        %dma_wait3A_804 = tpu.memref_slice %arg6[%dma_wait3A_802, %dma_wait3A_803] : memref<131072x128xf32, #tpu.memory_space<hbm>> -> memref<128x128xf32, #tpu.memory_space<hbm>>
        tpu.wait_dma2 semaphore(%arg20 : memref<!tpu.dma_semaphore, #tpu.memory_space<semaphore_mem>>) src(%arg12 : memref<128x128xf32, #tpu.memory_space<vmem>>) dst(%dma_wait3A_804 : memref<128x128xf32, #tpu.memory_space<hbm>>)
      } else {
      }
      %mul3A_202 = arith.constant 128 : i32
      %mul3A_203 = arith.muli %add3A_196, %mul3A_202 : i32
      %add3A_204 = arith.constant 0 : i32
      %add3A_205 = arith.addi %mul3A_203, %add3A_204 : i32
      %get3A_206 = arith.index_cast %add3A_205 : i32 to index
      %get3A_207 = tpu.vector_load %arg8[%get3A_206] {strides = array<i32>} : memref<4096xi32, #tpu.memory_space<vmem>>, vector<16xi32>,
      %get3A_208 = vector.shape_cast %get3A_207 : vector<16xi32> to vector<16xi32>
      %mul3A_209 = arith.constant 128 : i32
      %mul3A_210 = vector.broadcast %mul3A_209 : i32 to vector<16xi32>
      %mul3A_211 = arith.muli %get3A_208, %mul3A_210 : vector<16xi32>
      %iota3A_212 = tpu.iota {dimensions = array<i32: 0>} : vector<16xi32>
      %add3A_213 = arith.constant 0 : i32
      %add3A_214 = vector.broadcast %add3A_213 : i32 to vector<16xi32>
      %add3A_215 = arith.addi %add3A_214, %iota3A_212 : vector<16xi32>
      %add3A_216 = arith.addi %mul3A_211, %add3A_215 : vector<16xi32>
      %swap3A_217 = arith.constant 128 : index
      %swap3A_218 = tpu.vector_load %arg9[%swap3A_217] {strides = array<i32>} : memref<512xi32, #tpu.memory_space<vmem>>, vector<16xi32>,
      %swap3A_219 = vector.shape_cast %swap3A_218 : vector<16xi32> to vector<16xi32>
      %swap3A_220 = vector.shape_cast %add3A_216 : vector<16xi32> to vector<16xi32>
      tpu.vector_store %arg9[%swap3A_217], %swap3A_220 {strides = array<i32>} : memref<512xi32, #tpu.memory_space<vmem>>, vector<16xi32>,
      %mul3A_221 = arith.constant 128 : i32
      %mul3A_222 = arith.muli %add3A_196, %mul3A_221 : i32
      %add3A_223 = arith.constant 16 : i32
      %add3A_224 = arith.addi %mul3A_222, %add3A_223 : i32
      %get3A_225 = arith.index_cast %add3A_224 : i32 to index
      %get3A_226 = tpu.vector_load %arg8[%get3A_225] {strides = array<i32>} : memref<4096xi32, #tpu.memory_space<vmem>>, vector<16xi32>,
      %get3A_227 = vector.shape_cast %get3A_226 : vector<16xi32> to vector<16xi32>
      %mul3A_228 = arith.constant 128 : i32
      %mul3A_229 = vector.broadcast %mul3A_228 : i32 to vector<16xi32>
      %mul3A_230 = arith.muli %get3A_227, %mul3A_229 : vector<16xi32>
      %iota3A_231 = tpu.iota {dimensions = array<i32: 0>} : vector<16xi32>
      %add3A_232 = arith.constant 16 : i32
      %add3A_233 = vector.broadcast %add3A_232 : i32 to vector<16xi32>
      %add3A_234 = arith.addi %add3A_233, %iota3A_231 : vector<16xi32>
      %add3A_235 = arith.addi %mul3A_230, %add3A_234 : vector<16xi32>
      %swap3A_236 = arith.constant 144 : index
      %swap3A_237 = tpu.vector_load %arg9[%swap3A_236] {strides = array<i32>} : memref<512xi32, #tpu.memory_space<vmem>>, vector<16xi32>,
      %swap3A_238 = vector.shape_cast %swap3A_237 : vector<16xi32> to vector<16xi32>
      %swap3A_239 = vector.shape_cast %add3A_235 : vector<16xi32> to vector<16xi32>
      tpu.vector_store %arg9[%swap3A_236], %swap3A_239 {strides = array<i32>} : memref<512xi32, #tpu.memory_space<vmem>>, vector<16xi32>,
      %mul3A_240 = arith.constant 128 : i32
      %mul3A_241 = arith.muli %add3A_196, %mul3A_240 : i32
      %add3A_242 = arith.constant 32 : i32
      %add3A_243 = arith.addi %mul3A_241, %add3A_242 : i32
      %get3A_244 = arith.index_cast %add3A_243 : i32 to index
      %get3A_245 = tpu.vector_load %arg8[%get3A_244] {strides = array<i32>} : memref<4096xi32, #tpu.memory_space<vmem>>, vector<16xi32>,
      %get3A_246 = vector.shape_cast %get3A_245 : vector<16xi32> to vector<16xi32>
      %mul3A_247 = arith.constant 128 : i32
      %mul3A_248 = vector.broadcast %mul3A_247 : i32 to vector<16xi32>
      %mul3A_249 = arith.muli %get3A_246, %mul3A_248 : vector<16xi32>
      %iota3A_250 = tpu.iota {dimensions = array<i32: 0>} : vector<16xi32>
      %add3A_251 = arith.constant 32 : i32
      %add3A_252 = vector.broadcast %add3A_251 : i32 to vector<16xi32>
      %add3A_253 = arith.addi %add3A_252, %iota3A_250 : vector<16xi32>
      %add3A_254 = arith.addi %mul3A_249, %add3A_253 : vector<16xi32>
      %swap3A_255 = arith.constant 160 : index
      %swap3A_256 = tpu.vector_load %arg9[%swap3A_255] {strides = array<i32>} : memref<512xi32, #tpu.memory_space<vmem>>, vector<16xi32>,
      %swap3A_257 = vector.shape_cast %swap3A_256 : vector<16xi32> to vector<16xi32>
      %swap3A_258 = vector.shape_cast %add3A_254 : vector<16xi32> to vector<16xi32>
      tpu.vector_store %arg9[%swap3A_255], %swap3A_258 {strides = array<i32>} : memref<512xi32, #tpu.memory_space<vmem>>, vector<16xi32>,
      %mul3A_259 = arith.constant 128 : i32
      %mul3A_260 = arith.muli %add3A_196, %mul3A_259 : i32
      %add3A_261 = arith.constant 48 : i32
      %add3A_262 = arith.addi %mul3A_260, %add3A_261 : i32
      %get3A_263 = arith.index_cast %add3A_262 : i32 to index
      %get3A_264 = tpu.vector_load %arg8[%get3A_263] {strides = array<i32>} : memref<4096xi32, #tpu.memory_space<vmem>>, vector<16xi32>,
      %get3A_265 = vector.shape_cast %get3A_264 : vector<16xi32> to vector<16xi32>
      %mul3A_266 = arith.constant 128 : i32
      %mul3A_267 = vector.broadcast %mul3A_266 : i32 to vector<16xi32>
      %mul3A_268 = arith.muli %get3A_265, %mul3A_267 : vector<16xi32>
      %iota3A_269 = tpu.iota {dimensions = array<i32: 0>} : vector<16xi32>
      %add3A_270 = arith.constant 48 : i32
      %add3A_271 = vector.broadcast %add3A_270 : i32 to vector<16xi32>
      %add3A_272 = arith.addi %add3A_271, %iota3A_269 : vector<16xi32>
      %add3A_273 = arith.addi %mul3A_268, %add3A_272 : vector<16xi32>
      %swap3A_274 = arith.constant 176 : index
      %swap3A_275 = tpu.vector_load %arg9[%swap3A_274] {strides = array<i32>} : memref<512xi32, #tpu.memory_space<vmem>>, vector<16xi32>,
      %swap3A_276 = vector.shape_cast %swap3A_275 : vector<16xi32> to vector<16xi32>
      %swap3A_277 = vector.shape_cast %add3A_273 : vector<16xi32> to vector<16xi32>
      tpu.vector_store %arg9[%swap3A_274], %swap3A_277 {strides = array<i32>} : memref<512xi32, #tpu.memory_space<vmem>>, vector<16xi32>,
      %mul3A_278 = arith.constant 128 : i32
      %mul3A_279 = arith.muli %add3A_196, %mul3A_278 : i32
      %add3A_280 = arith.constant 64 : i32
      %add3A_281 = arith.addi %mul3A_279, %add3A_280 : i32
      %get3A_282 = arith.index_cast %add3A_281 : i32 to index
      %get3A_283 = tpu.vector_load %arg8[%get3A_282] {strides = array<i32>} : memref<4096xi32, #tpu.memory_space<vmem>>, vector<16xi32>,
      %get3A_284 = vector.shape_cast %get3A_283 : vector<16xi32> to vector<16xi32>
      %mul3A_285 = arith.constant 128 : i32
      %mul3A_286 = vector.broadcast %mul3A_285 : i32 to vector<16xi32>
      %mul3A_287 = arith.muli %get3A_284, %mul3A_286 : vector<16xi32>
      %iota3A_288 = tpu.iota {dimensions = array<i32: 0>} : vector<16xi32>
      %add3A_289 = arith.constant 64 : i32
      %add3A_290 = vector.broadcast %add3A_289 : i32 to vector<16xi32>
      %add3A_291 = arith.addi %add3A_290, %iota3A_288 : vector<16xi32>
      %add3A_292 = arith.addi %mul3A_287, %add3A_291 : vector<16xi32>
      %swap3A_293 = arith.constant 192 : index
      %swap3A_294 = tpu.vector_load %arg9[%swap3A_293] {strides = array<i32>} : memref<512xi32, #tpu.memory_space<vmem>>, vector<16xi32>,
      %swap3A_295 = vector.shape_cast %swap3A_294 : vector<16xi32> to vector<16xi32>
      %swap3A_296 = vector.shape_cast %add3A_292 : vector<16xi32> to vector<16xi32>
      tpu.vector_store %arg9[%swap3A_293], %swap3A_296 {strides = array<i32>} : memref<512xi32, #tpu.memory_space<vmem>>, vector<16xi32>,
      %mul3A_297 = arith.constant 128 : i32
      %mul3A_298 = arith.muli %add3A_196, %mul3A_297 : i32
      %add3A_299 = arith.constant 80 : i32
      %add3A_300 = arith.addi %mul3A_298, %add3A_299 : i32
      %get3A_301 = arith.index_cast %add3A_300 : i32 to index
      %get3A_302 = tpu.vector_load %arg8[%get3A_301] {strides = array<i32>} : memref<4096xi32, #tpu.memory_space<vmem>>, vector<16xi32>,
      %get3A_303 = vector.shape_cast %get3A_302 : vector<16xi32> to vector<16xi32>
      %mul3A_304 = arith.constant 128 : i32
      %mul3A_305 = vector.broadcast %mul3A_304 : i32 to vector<16xi32>
      %mul3A_306 = arith.muli %get3A_303, %mul3A_305 : vector<16xi32>
      %iota3A_307 = tpu.iota {dimensions = array<i32: 0>} : vector<16xi32>
      %add3A_308 = arith.constant 80 : i32
      %add3A_309 = vector.broadcast %add3A_308 : i32 to vector<16xi32>
      %add3A_310 = arith.addi %add3A_309, %iota3A_307 : vector<16xi32>
      %add3A_311 = arith.addi %mul3A_306, %add3A_310 : vector<16xi32>
      %swap3A_312 = arith.constant 208 : index
      %swap3A_313 = tpu.vector_load %arg9[%swap3A_312] {strides = array<i32>} : memref<512xi32, #tpu.memory_space<vmem>>, vector<16xi32>,
      %swap3A_314 = vector.shape_cast %swap3A_313 : vector<16xi32> to vector<16xi32>
      %swap3A_315 = vector.shape_cast %add3A_311 : vector<16xi32> to vector<16xi32>
      tpu.vector_store %arg9[%swap3A_312], %swap3A_315 {strides = array<i32>} : memref<512xi32, #tpu.memory_space<vmem>>, vector<16xi32>,
      %mul3A_316 = arith.constant 128 : i32
      %mul3A_317 = arith.muli %add3A_196, %mul3A_316 : i32
      %add3A_318 = arith.constant 96 : i32
      %add3A_319 = arith.addi %mul3A_317, %add3A_318 : i32
      %get3A_320 = arith.index_cast %add3A_319 : i32 to index
      %get3A_321 = tpu.vector_load %arg8[%get3A_320] {strides = array<i32>} : memref<4096xi32, #tpu.memory_space<vmem>>, vector<16xi32>,
      %get3A_322 = vector.shape_cast %get3A_321 : vector<16xi32> to vector<16xi32>
      %mul3A_323 = arith.constant 128 : i32
      %mul3A_324 = vector.broadcast %mul3A_323 : i32 to vector<16xi32>
      %mul3A_325 = arith.muli %get3A_322, %mul3A_324 : vector<16xi32>
      %iota3A_326 = tpu.iota {dimensions = array<i32: 0>} : vector<16xi32>
      %add3A_327 = arith.constant 96 : i32
      %add3A_328 = vector.broadcast %add3A_327 : i32 to vector<16xi32>
      %add3A_329 = arith.addi %add3A_328, %iota3A_326 : vector<16xi32>
      %add3A_330 = arith.addi %mul3A_325, %add3A_329 : vector<16xi32>
      %swap3A_331 = arith.constant 224 : index
      %swap3A_332 = tpu.vector_load %arg9[%swap3A_331] {strides = array<i32>} : memref<512xi32, #tpu.memory_space<vmem>>, vector<16xi32>,
      %swap3A_333 = vector.shape_cast %swap3A_332 : vector<16xi32> to vector<16xi32>
      %swap3A_334 = vector.shape_cast %add3A_330 : vector<16xi32> to vector<16xi32>
      tpu.vector_store %arg9[%swap3A_331], %swap3A_334 {strides = array<i32>} : memref<512xi32, #tpu.memory_space<vmem>>, vector<16xi32>,
      %mul3A_335 = arith.constant 128 : i32
      %mul3A_336 = arith.muli %add3A_196, %mul3A_335 : i32
      %add3A_337 = arith.constant 112 : i32
      %add3A_338 = arith.addi %mul3A_336, %add3A_337 : i32
      %get3A_339 = arith.index_cast %add3A_338 : i32 to index
      %get3A_340 = tpu.vector_load %arg8[%get3A_339] {strides = array<i32>} : memref<4096xi32, #tpu.memory_space<vmem>>, vector<16xi32>,
      %get3A_341 = vector.shape_cast %get3A_340 : vector<16xi32> to vector<16xi32>
      %mul3A_342 = arith.constant 128 : i32
      %mul3A_343 = vector.broadcast %mul3A_342 : i32 to vector<16xi32>
      %mul3A_344 = arith.muli %get3A_341, %mul3A_343 : vector<16xi32>
      %iota3A_345 = tpu.iota {dimensions = array<i32: 0>} : vector<16xi32>
      %add3A_346 = arith.constant 112 : i32
      %add3A_347 = vector.broadcast %add3A_346 : i32 to vector<16xi32>
      %add3A_348 = arith.addi %add3A_347, %iota3A_345 : vector<16xi32>
      %add3A_349 = arith.addi %mul3A_344, %add3A_348 : vector<16xi32>
      %swap3A_350 = arith.constant 240 : index
      %swap3A_351 = tpu.vector_load %arg9[%swap3A_350] {strides = array<i32>} : memref<512xi32, #tpu.memory_space<vmem>>, vector<16xi32>,
      %swap3A_352 = vector.shape_cast %swap3A_351 : vector<16xi32> to vector<16xi32>
      %swap3A_353 = vector.shape_cast %add3A_349 : vector<16xi32> to vector<16xi32>
      tpu.vector_store %arg9[%swap3A_350], %swap3A_353 {strides = array<i32>} : memref<512xi32, #tpu.memory_space<vmem>>, vector<16xi32>,
      %dma_start3A_354 = arith.constant 128 : i32
      %dma_start3A_355 = tpu.memref_slice %arg9[%dma_start3A_354] : memref<512xi32, #tpu.memory_space<vmem>> -> memref<128xi32, #tpu.memory_space<vmem>>
      %dma_start3A_356 = arith.constant 0 : i32
      %dma_start3A_357 = arith.constant 0 : i32
      %dma_start3A_358 = tpu.memref_slice %arg10[%dma_start3A_356, %dma_start3A_357] : memref<384x128xf32, #tpu.memory_space<vmem_shared>> -> memref<384x128xf32, #tpu.memory_space<vmem_shared>>
      tpu.enqueue_indirect_dma source(%dma_start3A_358 : memref<384x128xf32, #tpu.memory_space<vmem_shared>>) target(%arg12 : memref<128x128xf32, #tpu.memory_space<vmem>>) offsets(%dma_start3A_355 : memref<128xi32, #tpu.memory_space<vmem>>) semaphore(%arg16 : memref<!tpu.dma_semaphore, #tpu.memory_space<semaphore_mem>>)
      %add3A_359 = arith.constant 2 : i32
      %add3A_360 = arith.addi %mul3A_35, %add3A_359 : i32
      %gt3A_361 = arith.constant 0 : i32
      %gt3A_362 = arith.cmpi sgt, %scan3A_33, %gt3A_361 : i32
      %convert_element_type3A_363 = arith.extui %gt3A_362 : i1 to i32
      %cond3A_364 = arith.constant 0 : i32
      %cond3A_365 = arith.cmpi ne, %convert_element_type3A_363, %cond3A_364 : i32
      scf.if %cond3A_365 {
        %dma_wait3A_799 = arith.constant 0 : i32
        %dma_wait3A_800 = arith.constant 0 : i32
        %dma_wait3A_801 = tpu.memref_slice %arg6[%dma_wait3A_799, %dma_wait3A_800] : memref<131072x128xf32, #tpu.memory_space<hbm>> -> memref<128x128xf32, #tpu.memory_space<hbm>>
        %dma_wait3A_802 = arith.constant 0 : i32
        %dma_wait3A_803 = arith.constant 0 : i32
        %dma_wait3A_804 = tpu.memref_slice %arg6[%dma_wait3A_802, %dma_wait3A_803] : memref<131072x128xf32, #tpu.memory_space<hbm>> -> memref<128x128xf32, #tpu.memory_space<hbm>>
        tpu.wait_dma2 semaphore(%arg21 : memref<!tpu.dma_semaphore, #tpu.memory_space<semaphore_mem>>) src(%arg13 : memref<128x128xf32, #tpu.memory_space<vmem>>) dst(%dma_wait3A_804 : memref<128x128xf32, #tpu.memory_space<hbm>>)
      } else {
      }
      %mul3A_366 = arith.constant 128 : i32
      %mul3A_367 = arith.muli %add3A_360, %mul3A_366 : i32
      %add3A_368 = arith.constant 0 : i32
      %add3A_369 = arith.addi %mul3A_367, %add3A_368 : i32
      %get3A_370 = arith.index_cast %add3A_369 : i32 to index
      %get3A_371 = tpu.vector_load %arg8[%get3A_370] {strides = array<i32>} : memref<4096xi32, #tpu.memory_space<vmem>>, vector<16xi32>,
      %get3A_372 = vector.shape_cast %get3A_371 : vector<16xi32> to vector<16xi32>
      %mul3A_373 = arith.constant 128 : i32
      %mul3A_374 = vector.broadcast %mul3A_373 : i32 to vector<16xi32>
      %mul3A_375 = arith.muli %get3A_372, %mul3A_374 : vector<16xi32>
      %iota3A_376 = tpu.iota {dimensions = array<i32: 0>} : vector<16xi32>
      %add3A_377 = arith.constant 0 : i32
      %add3A_378 = vector.broadcast %add3A_377 : i32 to vector<16xi32>
      %add3A_379 = arith.addi %add3A_378, %iota3A_376 : vector<16xi32>
      %add3A_380 = arith.addi %mul3A_375, %add3A_379 : vector<16xi32>
      %swap3A_381 = arith.constant 256 : index
      %swap3A_382 = tpu.vector_load %arg9[%swap3A_381] {strides = array<i32>} : memref<512xi32, #tpu.memory_space<vmem>>, vector<16xi32>,
      %swap3A_383 = vector.shape_cast %swap3A_382 : vector<16xi32> to vector<16xi32>
      %swap3A_384 = vector.shape_cast %add3A_380 : vector<16xi32> to vector<16xi32>
      tpu.vector_store %arg9[%swap3A_381], %swap3A_384 {strides = array<i32>} : memref<512xi32, #tpu.memory_space<vmem>>, vector<16xi32>,
      %mul3A_385 = arith.constant 128 : i32
      %mul3A_386 = arith.muli %add3A_360, %mul3A_385 : i32
      %add3A_387 = arith.constant 16 : i32
      %add3A_388 = arith.addi %mul3A_386, %add3A_387 : i32
      %get3A_389 = arith.index_cast %add3A_388 : i32 to index
      %get3A_390 = tpu.vector_load %arg8[%get3A_389] {strides = array<i32>} : memref<4096xi32, #tpu.memory_space<vmem>>, vector<16xi32>,
      %get3A_391 = vector.shape_cast %get3A_390 : vector<16xi32> to vector<16xi32>
      %mul3A_392 = arith.constant 128 : i32
      %mul3A_393 = vector.broadcast %mul3A_392 : i32 to vector<16xi32>
      %mul3A_394 = arith.muli %get3A_391, %mul3A_393 : vector<16xi32>
      %iota3A_395 = tpu.iota {dimensions = array<i32: 0>} : vector<16xi32>
      %add3A_396 = arith.constant 16 : i32
      %add3A_397 = vector.broadcast %add3A_396 : i32 to vector<16xi32>
      %add3A_398 = arith.addi %add3A_397, %iota3A_395 : vector<16xi32>
      %add3A_399 = arith.addi %mul3A_394, %add3A_398 : vector<16xi32>
      %swap3A_400 = arith.constant 272 : index
      %swap3A_401 = tpu.vector_load %arg9[%swap3A_400] {strides = array<i32>} : memref<512xi32, #tpu.memory_space<vmem>>, vector<16xi32>,
      %swap3A_402 = vector.shape_cast %swap3A_401 : vector<16xi32> to vector<16xi32>
      %swap3A_403 = vector.shape_cast %add3A_399 : vector<16xi32> to vector<16xi32>
      tpu.vector_store %arg9[%swap3A_400], %swap3A_403 {strides = array<i32>} : memref<512xi32, #tpu.memory_space<vmem>>, vector<16xi32>,
      %mul3A_404 = arith.constant 128 : i32
      %mul3A_405 = arith.muli %add3A_360, %mul3A_404 : i32
      %add3A_406 = arith.constant 32 : i32
      %add3A_407 = arith.addi %mul3A_405, %add3A_406 : i32
      %get3A_408 = arith.index_cast %add3A_407 : i32 to index
      %get3A_409 = tpu.vector_load %arg8[%get3A_408] {strides = array<i32>} : memref<4096xi32, #tpu.memory_space<vmem>>, vector<16xi32>,
      %get3A_410 = vector.shape_cast %get3A_409 : vector<16xi32> to vector<16xi32>
      %mul3A_411 = arith.constant 128 : i32
      %mul3A_412 = vector.broadcast %mul3A_411 : i32 to vector<16xi32>
      %mul3A_413 = arith.muli %get3A_410, %mul3A_412 : vector<16xi32>
      %iota3A_414 = tpu.iota {dimensions = array<i32: 0>} : vector<16xi32>
      %add3A_415 = arith.constant 32 : i32
      %add3A_416 = vector.broadcast %add3A_415 : i32 to vector<16xi32>
      %add3A_417 = arith.addi %add3A_416, %iota3A_414 : vector<16xi32>
      %add3A_418 = arith.addi %mul3A_413, %add3A_417 : vector<16xi32>
      %swap3A_419 = arith.constant 288 : index
      %swap3A_420 = tpu.vector_load %arg9[%swap3A_419] {strides = array<i32>} : memref<512xi32, #tpu.memory_space<vmem>>, vector<16xi32>,
      %swap3A_421 = vector.shape_cast %swap3A_420 : vector<16xi32> to vector<16xi32>
      %swap3A_422 = vector.shape_cast %add3A_418 : vector<16xi32> to vector<16xi32>
      tpu.vector_store %arg9[%swap3A_419], %swap3A_422 {strides = array<i32>} : memref<512xi32, #tpu.memory_space<vmem>>, vector<16xi32>,
      %mul3A_423 = arith.constant 128 : i32
      %mul3A_424 = arith.muli %add3A_360, %mul3A_423 : i32
      %add3A_425 = arith.constant 48 : i32
      %add3A_426 = arith.addi %mul3A_424, %add3A_425 : i32
      %get3A_427 = arith.index_cast %add3A_426 : i32 to index
      %get3A_428 = tpu.vector_load %arg8[%get3A_427] {strides = array<i32>} : memref<4096xi32, #tpu.memory_space<vmem>>, vector<16xi32>,
      %get3A_429 = vector.shape_cast %get3A_428 : vector<16xi32> to vector<16xi32>
      %mul3A_430 = arith.constant 128 : i32
      %mul3A_431 = vector.broadcast %mul3A_430 : i32 to vector<16xi32>
      %mul3A_432 = arith.muli %get3A_429, %mul3A_431 : vector<16xi32>
      %iota3A_433 = tpu.iota {dimensions = array<i32: 0>} : vector<16xi32>
      %add3A_434 = arith.constant 48 : i32
      %add3A_435 = vector.broadcast %add3A_434 : i32 to vector<16xi32>
      %add3A_436 = arith.addi %add3A_435, %iota3A_433 : vector<16xi32>
      %add3A_437 = arith.addi %mul3A_432, %add3A_436 : vector<16xi32>
      %swap3A_438 = arith.constant 304 : index
      %swap3A_439 = tpu.vector_load %arg9[%swap3A_438] {strides = array<i32>} : memref<512xi32, #tpu.memory_space<vmem>>, vector<16xi32>,
      %swap3A_440 = vector.shape_cast %swap3A_439 : vector<16xi32> to vector<16xi32>
      %swap3A_441 = vector.shape_cast %add3A_437 : vector<16xi32> to vector<16xi32>
      tpu.vector_store %arg9[%swap3A_438], %swap3A_441 {strides = array<i32>} : memref<512xi32, #tpu.memory_space<vmem>>, vector<16xi32>,
      %mul3A_442 = arith.constant 128 : i32
      %mul3A_443 = arith.muli %add3A_360, %mul3A_442 : i32
      %add3A_444 = arith.constant 64 : i32
      %add3A_445 = arith.addi %mul3A_443, %add3A_444 : i32
      %get3A_446 = arith.index_cast %add3A_445 : i32 to index
      %get3A_447 = tpu.vector_load %arg8[%get3A_446] {strides = array<i32>} : memref<4096xi32, #tpu.memory_space<vmem>>, vector<16xi32>,
      %get3A_448 = vector.shape_cast %get3A_447 : vector<16xi32> to vector<16xi32>
      %mul3A_449 = arith.constant 128 : i32
      %mul3A_450 = vector.broadcast %mul3A_449 : i32 to vector<16xi32>
      %mul3A_451 = arith.muli %get3A_448, %mul3A_450 : vector<16xi32>
      %iota3A_452 = tpu.iota {dimensions = array<i32: 0>} : vector<16xi32>
      %add3A_453 = arith.constant 64 : i32
      %add3A_454 = vector.broadcast %add3A_453 : i32 to vector<16xi32>
      %add3A_455 = arith.addi %add3A_454, %iota3A_452 : vector<16xi32>
      %add3A_456 = arith.addi %mul3A_451, %add3A_455 : vector<16xi32>
      %swap3A_457 = arith.constant 320 : index
      %swap3A_458 = tpu.vector_load %arg9[%swap3A_457] {strides = array<i32>} : memref<512xi32, #tpu.memory_space<vmem>>, vector<16xi32>,
      %swap3A_459 = vector.shape_cast %swap3A_458 : vector<16xi32> to vector<16xi32>
      %swap3A_460 = vector.shape_cast %add3A_456 : vector<16xi32> to vector<16xi32>
      tpu.vector_store %arg9[%swap3A_457], %swap3A_460 {strides = array<i32>} : memref<512xi32, #tpu.memory_space<vmem>>, vector<16xi32>,
      %mul3A_461 = arith.constant 128 : i32
      %mul3A_462 = arith.muli %add3A_360, %mul3A_461 : i32
      %add3A_463 = arith.constant 80 : i32
      %add3A_464 = arith.addi %mul3A_462, %add3A_463 : i32
      %get3A_465 = arith.index_cast %add3A_464 : i32 to index
      %get3A_466 = tpu.vector_load %arg8[%get3A_465] {strides = array<i32>} : memref<4096xi32, #tpu.memory_space<vmem>>, vector<16xi32>,
      %get3A_467 = vector.shape_cast %get3A_466 : vector<16xi32> to vector<16xi32>
      %mul3A_468 = arith.constant 128 : i32
      %mul3A_469 = vector.broadcast %mul3A_468 : i32 to vector<16xi32>
      %mul3A_470 = arith.muli %get3A_467, %mul3A_469 : vector<16xi32>
      %iota3A_471 = tpu.iota {dimensions = array<i32: 0>} : vector<16xi32>
      %add3A_472 = arith.constant 80 : i32
      %add3A_473 = vector.broadcast %add3A_472 : i32 to vector<16xi32>
      %add3A_474 = arith.addi %add3A_473, %iota3A_471 : vector<16xi32>
      %add3A_475 = arith.addi %mul3A_470, %add3A_474 : vector<16xi32>
      %swap3A_476 = arith.constant 336 : index
      %swap3A_477 = tpu.vector_load %arg9[%swap3A_476] {strides = array<i32>} : memref<512xi32, #tpu.memory_space<vmem>>, vector<16xi32>,
      %swap3A_478 = vector.shape_cast %swap3A_477 : vector<16xi32> to vector<16xi32>
      %swap3A_479 = vector.shape_cast %add3A_475 : vector<16xi32> to vector<16xi32>
      tpu.vector_store %arg9[%swap3A_476], %swap3A_479 {strides = array<i32>} : memref<512xi32, #tpu.memory_space<vmem>>, vector<16xi32>,
      %mul3A_480 = arith.constant 128 : i32
      %mul3A_481 = arith.muli %add3A_360, %mul3A_480 : i32
      %add3A_482 = arith.constant 96 : i32
      %add3A_483 = arith.addi %mul3A_481, %add3A_482 : i32
      %get3A_484 = arith.index_cast %add3A_483 : i32 to index
      %get3A_485 = tpu.vector_load %arg8[%get3A_484] {strides = array<i32>} : memref<4096xi32, #tpu.memory_space<vmem>>, vector<16xi32>,
      %get3A_486 = vector.shape_cast %get3A_485 : vector<16xi32> to vector<16xi32>
      %mul3A_487 = arith.constant 128 : i32
      %mul3A_488 = vector.broadcast %mul3A_487 : i32 to vector<16xi32>
      %mul3A_489 = arith.muli %get3A_486, %mul3A_488 : vector<16xi32>
      %iota3A_490 = tpu.iota {dimensions = array<i32: 0>} : vector<16xi32>
      %add3A_491 = arith.constant 96 : i32
      %add3A_492 = vector.broadcast %add3A_491 : i32 to vector<16xi32>
      %add3A_493 = arith.addi %add3A_492, %iota3A_490 : vector<16xi32>
      %add3A_494 = arith.addi %mul3A_489, %add3A_493 : vector<16xi32>
      %swap3A_495 = arith.constant 352 : index
      %swap3A_496 = tpu.vector_load %arg9[%swap3A_495] {strides = array<i32>} : memref<512xi32, #tpu.memory_space<vmem>>, vector<16xi32>,
      %swap3A_497 = vector.shape_cast %swap3A_496 : vector<16xi32> to vector<16xi32>
      %swap3A_498 = vector.shape_cast %add3A_494 : vector<16xi32> to vector<16xi32>
      tpu.vector_store %arg9[%swap3A_495], %swap3A_498 {strides = array<i32>} : memref<512xi32, #tpu.memory_space<vmem>>, vector<16xi32>,
      %mul3A_499 = arith.constant 128 : i32
      %mul3A_500 = arith.muli %add3A_360, %mul3A_499 : i32
      %add3A_501 = arith.constant 112 : i32
      %add3A_502 = arith.addi %mul3A_500, %add3A_501 : i32
      %get3A_503 = arith.index_cast %add3A_502 : i32 to index
      %get3A_504 = tpu.vector_load %arg8[%get3A_503] {strides = array<i32>} : memref<4096xi32, #tpu.memory_space<vmem>>, vector<16xi32>,
      %get3A_505 = vector.shape_cast %get3A_504 : vector<16xi32> to vector<16xi32>
      %mul3A_506 = arith.constant 128 : i32
      %mul3A_507 = vector.broadcast %mul3A_506 : i32 to vector<16xi32>
      %mul3A_508 = arith.muli %get3A_505, %mul3A_507 : vector<16xi32>
      %iota3A_509 = tpu.iota {dimensions = array<i32: 0>} : vector<16xi32>
      %add3A_510 = arith.constant 112 : i32
      %add3A_511 = vector.broadcast %add3A_510 : i32 to vector<16xi32>
      %add3A_512 = arith.addi %add3A_511, %iota3A_509 : vector<16xi32>
      %add3A_513 = arith.addi %mul3A_508, %add3A_512 : vector<16xi32>
      %swap3A_514 = arith.constant 368 : index
      %swap3A_515 = tpu.vector_load %arg9[%swap3A_514] {strides = array<i32>} : memref<512xi32, #tpu.memory_space<vmem>>, vector<16xi32>,
      %swap3A_516 = vector.shape_cast %swap3A_515 : vector<16xi32> to vector<16xi32>
      %swap3A_517 = vector.shape_cast %add3A_513 : vector<16xi32> to vector<16xi32>
      tpu.vector_store %arg9[%swap3A_514], %swap3A_517 {strides = array<i32>} : memref<512xi32, #tpu.memory_space<vmem>>, vector<16xi32>,
      %dma_start3A_518 = arith.constant 256 : i32
      %dma_start3A_519 = tpu.memref_slice %arg9[%dma_start3A_518] : memref<512xi32, #tpu.memory_space<vmem>> -> memref<128xi32, #tpu.memory_space<vmem>>
      %dma_start3A_520 = arith.constant 0 : i32
      %dma_start3A_521 = arith.constant 0 : i32
      %dma_start3A_522 = tpu.memref_slice %arg10[%dma_start3A_520, %dma_start3A_521] : memref<384x128xf32, #tpu.memory_space<vmem_shared>> -> memref<384x128xf32, #tpu.memory_space<vmem_shared>>
      tpu.enqueue_indirect_dma source(%dma_start3A_522 : memref<384x128xf32, #tpu.memory_space<vmem_shared>>) target(%arg13 : memref<128x128xf32, #tpu.memory_space<vmem>>) offsets(%dma_start3A_519 : memref<128xi32, #tpu.memory_space<vmem>>) semaphore(%arg17 : memref<!tpu.dma_semaphore, #tpu.memory_space<semaphore_mem>>)
      %add3A_523 = arith.constant 3 : i32
      %add3A_524 = arith.addi %mul3A_35, %add3A_523 : i32
      %gt3A_525 = arith.constant 0 : i32
      %gt3A_526 = arith.cmpi sgt, %scan3A_33, %gt3A_525 : i32
      %convert_element_type3A_527 = arith.extui %gt3A_526 : i1 to i32
      %cond3A_528 = arith.constant 0 : i32
      %cond3A_529 = arith.cmpi ne, %convert_element_type3A_527, %cond3A_528 : i32
      scf.if %cond3A_529 {
        %dma_wait3A_799 = arith.constant 0 : i32
        %dma_wait3A_800 = arith.constant 0 : i32
        %dma_wait3A_801 = tpu.memref_slice %arg6[%dma_wait3A_799, %dma_wait3A_800] : memref<131072x128xf32, #tpu.memory_space<hbm>> -> memref<128x128xf32, #tpu.memory_space<hbm>>
        %dma_wait3A_802 = arith.constant 0 : i32
        %dma_wait3A_803 = arith.constant 0 : i32
        %dma_wait3A_804 = tpu.memref_slice %arg6[%dma_wait3A_802, %dma_wait3A_803] : memref<131072x128xf32, #tpu.memory_space<hbm>> -> memref<128x128xf32, #tpu.memory_space<hbm>>
        tpu.wait_dma2 semaphore(%arg22 : memref<!tpu.dma_semaphore, #tpu.memory_space<semaphore_mem>>) src(%arg14 : memref<128x128xf32, #tpu.memory_space<vmem>>) dst(%dma_wait3A_804 : memref<128x128xf32, #tpu.memory_space<hbm>>)
      } else {
      }
      %mul3A_530 = arith.constant 128 : i32
      %mul3A_531 = arith.muli %add3A_524, %mul3A_530 : i32
      %add3A_532 = arith.constant 0 : i32
      %add3A_533 = arith.addi %mul3A_531, %add3A_532 : i32
      %get3A_534 = arith.index_cast %add3A_533 : i32 to index
      %get3A_535 = tpu.vector_load %arg8[%get3A_534] {strides = array<i32>} : memref<4096xi32, #tpu.memory_space<vmem>>, vector<16xi32>,
      %get3A_536 = vector.shape_cast %get3A_535 : vector<16xi32> to vector<16xi32>
      %mul3A_537 = arith.constant 128 : i32
      %mul3A_538 = vector.broadcast %mul3A_537 : i32 to vector<16xi32>
      %mul3A_539 = arith.muli %get3A_536, %mul3A_538 : vector<16xi32>
      %iota3A_540 = tpu.iota {dimensions = array<i32: 0>} : vector<16xi32>
      %add3A_541 = arith.constant 0 : i32
      %add3A_542 = vector.broadcast %add3A_541 : i32 to vector<16xi32>
      %add3A_543 = arith.addi %add3A_542, %iota3A_540 : vector<16xi32>
      %add3A_544 = arith.addi %mul3A_539, %add3A_543 : vector<16xi32>
      %swap3A_545 = arith.constant 384 : index
      %swap3A_546 = tpu.vector_load %arg9[%swap3A_545] {strides = array<i32>} : memref<512xi32, #tpu.memory_space<vmem>>, vector<16xi32>,
      %swap3A_547 = vector.shape_cast %swap3A_546 : vector<16xi32> to vector<16xi32>
      %swap3A_548 = vector.shape_cast %add3A_544 : vector<16xi32> to vector<16xi32>
      tpu.vector_store %arg9[%swap3A_545], %swap3A_548 {strides = array<i32>} : memref<512xi32, #tpu.memory_space<vmem>>, vector<16xi32>,
      %mul3A_549 = arith.constant 128 : i32
      %mul3A_550 = arith.muli %add3A_524, %mul3A_549 : i32
      %add3A_551 = arith.constant 16 : i32
      %add3A_552 = arith.addi %mul3A_550, %add3A_551 : i32
      %get3A_553 = arith.index_cast %add3A_552 : i32 to index
      %get3A_554 = tpu.vector_load %arg8[%get3A_553] {strides = array<i32>} : memref<4096xi32, #tpu.memory_space<vmem>>, vector<16xi32>,
      %get3A_555 = vector.shape_cast %get3A_554 : vector<16xi32> to vector<16xi32>
      %mul3A_556 = arith.constant 128 : i32
      %mul3A_557 = vector.broadcast %mul3A_556 : i32 to vector<16xi32>
      %mul3A_558 = arith.muli %get3A_555, %mul3A_557 : vector<16xi32>
      %iota3A_559 = tpu.iota {dimensions = array<i32: 0>} : vector<16xi32>
      %add3A_560 = arith.constant 16 : i32
      %add3A_561 = vector.broadcast %add3A_560 : i32 to vector<16xi32>
      %add3A_562 = arith.addi %add3A_561, %iota3A_559 : vector<16xi32>
      %add3A_563 = arith.addi %mul3A_558, %add3A_562 : vector<16xi32>
      %swap3A_564 = arith.constant 400 : index
      %swap3A_565 = tpu.vector_load %arg9[%swap3A_564] {strides = array<i32>} : memref<512xi32, #tpu.memory_space<vmem>>, vector<16xi32>,
      %swap3A_566 = vector.shape_cast %swap3A_565 : vector<16xi32> to vector<16xi32>
      %swap3A_567 = vector.shape_cast %add3A_563 : vector<16xi32> to vector<16xi32>
      tpu.vector_store %arg9[%swap3A_564], %swap3A_567 {strides = array<i32>} : memref<512xi32, #tpu.memory_space<vmem>>, vector<16xi32>,
      %mul3A_568 = arith.constant 128 : i32
      %mul3A_569 = arith.muli %add3A_524, %mul3A_568 : i32
      %add3A_570 = arith.constant 32 : i32
      %add3A_571 = arith.addi %mul3A_569, %add3A_570 : i32
      %get3A_572 = arith.index_cast %add3A_571 : i32 to index
      %get3A_573 = tpu.vector_load %arg8[%get3A_572] {strides = array<i32>} : memref<4096xi32, #tpu.memory_space<vmem>>, vector<16xi32>,
      %get3A_574 = vector.shape_cast %get3A_573 : vector<16xi32> to vector<16xi32>
      %mul3A_575 = arith.constant 128 : i32
      %mul3A_576 = vector.broadcast %mul3A_575 : i32 to vector<16xi32>
      %mul3A_577 = arith.muli %get3A_574, %mul3A_576 : vector<16xi32>
      %iota3A_578 = tpu.iota {dimensions = array<i32: 0>} : vector<16xi32>
      %add3A_579 = arith.constant 32 : i32
      %add3A_580 = vector.broadcast %add3A_579 : i32 to vector<16xi32>
      %add3A_581 = arith.addi %add3A_580, %iota3A_578 : vector<16xi32>
      %add3A_582 = arith.addi %mul3A_577, %add3A_581 : vector<16xi32>
      %swap3A_583 = arith.constant 416 : index
      %swap3A_584 = tpu.vector_load %arg9[%swap3A_583] {strides = array<i32>} : memref<512xi32, #tpu.memory_space<vmem>>, vector<16xi32>,
      %swap3A_585 = vector.shape_cast %swap3A_584 : vector<16xi32> to vector<16xi32>
      %swap3A_586 = vector.shape_cast %add3A_582 : vector<16xi32> to vector<16xi32>
      tpu.vector_store %arg9[%swap3A_583], %swap3A_586 {strides = array<i32>} : memref<512xi32, #tpu.memory_space<vmem>>, vector<16xi32>,
      %mul3A_587 = arith.constant 128 : i32
      %mul3A_588 = arith.muli %add3A_524, %mul3A_587 : i32
      %add3A_589 = arith.constant 48 : i32
      %add3A_590 = arith.addi %mul3A_588, %add3A_589 : i32
      %get3A_591 = arith.index_cast %add3A_590 : i32 to index
      %get3A_592 = tpu.vector_load %arg8[%get3A_591] {strides = array<i32>} : memref<4096xi32, #tpu.memory_space<vmem>>, vector<16xi32>,
      %get3A_593 = vector.shape_cast %get3A_592 : vector<16xi32> to vector<16xi32>
      %mul3A_594 = arith.constant 128 : i32
      %mul3A_595 = vector.broadcast %mul3A_594 : i32 to vector<16xi32>
      %mul3A_596 = arith.muli %get3A_593, %mul3A_595 : vector<16xi32>
      %iota3A_597 = tpu.iota {dimensions = array<i32: 0>} : vector<16xi32>
      %add3A_598 = arith.constant 48 : i32
      %add3A_599 = vector.broadcast %add3A_598 : i32 to vector<16xi32>
      %add3A_600 = arith.addi %add3A_599, %iota3A_597 : vector<16xi32>
      %add3A_601 = arith.addi %mul3A_596, %add3A_600 : vector<16xi32>
      %swap3A_602 = arith.constant 432 : index
      %swap3A_603 = tpu.vector_load %arg9[%swap3A_602] {strides = array<i32>} : memref<512xi32, #tpu.memory_space<vmem>>, vector<16xi32>,
      %swap3A_604 = vector.shape_cast %swap3A_603 : vector<16xi32> to vector<16xi32>
      %swap3A_605 = vector.shape_cast %add3A_601 : vector<16xi32> to vector<16xi32>
      tpu.vector_store %arg9[%swap3A_602], %swap3A_605 {strides = array<i32>} : memref<512xi32, #tpu.memory_space<vmem>>, vector<16xi32>,
      %mul3A_606 = arith.constant 128 : i32
      %mul3A_607 = arith.muli %add3A_524, %mul3A_606 : i32
      %add3A_608 = arith.constant 64 : i32
      %add3A_609 = arith.addi %mul3A_607, %add3A_608 : i32
      %get3A_610 = arith.index_cast %add3A_609 : i32 to index
      %get3A_611 = tpu.vector_load %arg8[%get3A_610] {strides = array<i32>} : memref<4096xi32, #tpu.memory_space<vmem>>, vector<16xi32>,
      %get3A_612 = vector.shape_cast %get3A_611 : vector<16xi32> to vector<16xi32>
      %mul3A_613 = arith.constant 128 : i32
      %mul3A_614 = vector.broadcast %mul3A_613 : i32 to vector<16xi32>
      %mul3A_615 = arith.muli %get3A_612, %mul3A_614 : vector<16xi32>
      %iota3A_616 = tpu.iota {dimensions = array<i32: 0>} : vector<16xi32>
      %add3A_617 = arith.constant 64 : i32
      %add3A_618 = vector.broadcast %add3A_617 : i32 to vector<16xi32>
      %add3A_619 = arith.addi %add3A_618, %iota3A_616 : vector<16xi32>
      %add3A_620 = arith.addi %mul3A_615, %add3A_619 : vector<16xi32>
      %swap3A_621 = arith.constant 448 : index
      %swap3A_622 = tpu.vector_load %arg9[%swap3A_621] {strides = array<i32>} : memref<512xi32, #tpu.memory_space<vmem>>, vector<16xi32>,
      %swap3A_623 = vector.shape_cast %swap3A_622 : vector<16xi32> to vector<16xi32>
      %swap3A_624 = vector.shape_cast %add3A_620 : vector<16xi32> to vector<16xi32>
      tpu.vector_store %arg9[%swap3A_621], %swap3A_624 {strides = array<i32>} : memref<512xi32, #tpu.memory_space<vmem>>, vector<16xi32>,
      %mul3A_625 = arith.constant 128 : i32
      %mul3A_626 = arith.muli %add3A_524, %mul3A_625 : i32
      %add3A_627 = arith.constant 80 : i32
      %add3A_628 = arith.addi %mul3A_626, %add3A_627 : i32
      %get3A_629 = arith.index_cast %add3A_628 : i32 to index
      %get3A_630 = tpu.vector_load %arg8[%get3A_629] {strides = array<i32>} : memref<4096xi32, #tpu.memory_space<vmem>>, vector<16xi32>,
      %get3A_631 = vector.shape_cast %get3A_630 : vector<16xi32> to vector<16xi32>
      %mul3A_632 = arith.constant 128 : i32
      %mul3A_633 = vector.broadcast %mul3A_632 : i32 to vector<16xi32>
      %mul3A_634 = arith.muli %get3A_631, %mul3A_633 : vector<16xi32>
      %iota3A_635 = tpu.iota {dimensions = array<i32: 0>} : vector<16xi32>
      %add3A_636 = arith.constant 80 : i32
      %add3A_637 = vector.broadcast %add3A_636 : i32 to vector<16xi32>
      %add3A_638 = arith.addi %add3A_637, %iota3A_635 : vector<16xi32>
      %add3A_639 = arith.addi %mul3A_634, %add3A_638 : vector<16xi32>
      %swap3A_640 = arith.constant 464 : index
      %swap3A_641 = tpu.vector_load %arg9[%swap3A_640] {strides = array<i32>} : memref<512xi32, #tpu.memory_space<vmem>>, vector<16xi32>,
      %swap3A_642 = vector.shape_cast %swap3A_641 : vector<16xi32> to vector<16xi32>
      %swap3A_643 = vector.shape_cast %add3A_639 : vector<16xi32> to vector<16xi32>
      tpu.vector_store %arg9[%swap3A_640], %swap3A_643 {strides = array<i32>} : memref<512xi32, #tpu.memory_space<vmem>>, vector<16xi32>,
      %mul3A_644 = arith.constant 128 : i32
      %mul3A_645 = arith.muli %add3A_524, %mul3A_644 : i32
      %add3A_646 = arith.constant 96 : i32
      %add3A_647 = arith.addi %mul3A_645, %add3A_646 : i32
      %get3A_648 = arith.index_cast %add3A_647 : i32 to index
      %get3A_649 = tpu.vector_load %arg8[%get3A_648] {strides = array<i32>} : memref<4096xi32, #tpu.memory_space<vmem>>, vector<16xi32>,
      %get3A_650 = vector.shape_cast %get3A_649 : vector<16xi32> to vector<16xi32>
      %mul3A_651 = arith.constant 128 : i32
      %mul3A_652 = vector.broadcast %mul3A_651 : i32 to vector<16xi32>
      %mul3A_653 = arith.muli %get3A_650, %mul3A_652 : vector<16xi32>
      %iota3A_654 = tpu.iota {dimensions = array<i32: 0>} : vector<16xi32>
      %add3A_655 = arith.constant 96 : i32
      %add3A_656 = vector.broadcast %add3A_655 : i32 to vector<16xi32>
      %add3A_657 = arith.addi %add3A_656, %iota3A_654 : vector<16xi32>
      %add3A_658 = arith.addi %mul3A_653, %add3A_657 : vector<16xi32>
      %swap3A_659 = arith.constant 480 : index
      %swap3A_660 = tpu.vector_load %arg9[%swap3A_659] {strides = array<i32>} : memref<512xi32, #tpu.memory_space<vmem>>, vector<16xi32>,
      %swap3A_661 = vector.shape_cast %swap3A_660 : vector<16xi32> to vector<16xi32>
      %swap3A_662 = vector.shape_cast %add3A_658 : vector<16xi32> to vector<16xi32>
      tpu.vector_store %arg9[%swap3A_659], %swap3A_662 {strides = array<i32>} : memref<512xi32, #tpu.memory_space<vmem>>, vector<16xi32>,
      %mul3A_663 = arith.constant 128 : i32
      %mul3A_664 = arith.muli %add3A_524, %mul3A_663 : i32
      %add3A_665 = arith.constant 112 : i32
      %add3A_666 = arith.addi %mul3A_664, %add3A_665 : i32
      %get3A_667 = arith.index_cast %add3A_666 : i32 to index
      %get3A_668 = tpu.vector_load %arg8[%get3A_667] {strides = array<i32>} : memref<4096xi32, #tpu.memory_space<vmem>>, vector<16xi32>,
      %get3A_669 = vector.shape_cast %get3A_668 : vector<16xi32> to vector<16xi32>
      %mul3A_670 = arith.constant 128 : i32
      %mul3A_671 = vector.broadcast %mul3A_670 : i32 to vector<16xi32>
      %mul3A_672 = arith.muli %get3A_669, %mul3A_671 : vector<16xi32>
      %iota3A_673 = tpu.iota {dimensions = array<i32: 0>} : vector<16xi32>
      %add3A_674 = arith.constant 112 : i32
      %add3A_675 = vector.broadcast %add3A_674 : i32 to vector<16xi32>
      %add3A_676 = arith.addi %add3A_675, %iota3A_673 : vector<16xi32>
      %add3A_677 = arith.addi %mul3A_672, %add3A_676 : vector<16xi32>
      %swap3A_678 = arith.constant 496 : index
      %swap3A_679 = tpu.vector_load %arg9[%swap3A_678] {strides = array<i32>} : memref<512xi32, #tpu.memory_space<vmem>>, vector<16xi32>,
      %swap3A_680 = vector.shape_cast %swap3A_679 : vector<16xi32> to vector<16xi32>
      %swap3A_681 = vector.shape_cast %add3A_677 : vector<16xi32> to vector<16xi32>
      tpu.vector_store %arg9[%swap3A_678], %swap3A_681 {strides = array<i32>} : memref<512xi32, #tpu.memory_space<vmem>>, vector<16xi32>,
      %dma_start3A_682 = arith.constant 384 : i32
      %dma_start3A_683 = tpu.memref_slice %arg9[%dma_start3A_682] : memref<512xi32, #tpu.memory_space<vmem>> -> memref<128xi32, #tpu.memory_space<vmem>>
      %dma_start3A_684 = arith.constant 0 : i32
      %dma_start3A_685 = arith.constant 0 : i32
      %dma_start3A_686 = tpu.memref_slice %arg10[%dma_start3A_684, %dma_start3A_685] : memref<384x128xf32, #tpu.memory_space<vmem_shared>> -> memref<384x128xf32, #tpu.memory_space<vmem_shared>>
      tpu.enqueue_indirect_dma source(%dma_start3A_686 : memref<384x128xf32, #tpu.memory_space<vmem_shared>>) target(%arg14 : memref<128x128xf32, #tpu.memory_space<vmem>>) offsets(%dma_start3A_683 : memref<128xi32, #tpu.memory_space<vmem>>) semaphore(%arg18 : memref<!tpu.dma_semaphore, #tpu.memory_space<semaphore_mem>>)
      %add3A_687 = arith.constant 0 : i32
      %add3A_688 = arith.addi %mul3A_35, %add3A_687 : i32
      %dma_wait3A_689 = arith.constant 0 : i32
      %dma_wait3A_690 = tpu.memref_slice %arg9[%dma_wait3A_689] : memref<512xi32, #tpu.memory_space<vmem>> -> memref<128xi32, #tpu.memory_space<vmem>>
      %dma_wait3A_691 = arith.constant 0 : i32
      %dma_wait3A_692 = arith.constant 0 : i32
      %dma_wait3A_693 = tpu.memref_slice %arg10[%dma_wait3A_691, %dma_wait3A_692] : memref<384x128xf32, #tpu.memory_space<vmem_shared>> -> memref<384x128xf32, #tpu.memory_space<vmem_shared>>
      tpu.wait_indirect_dma semaphore(%arg15 : memref<!tpu.dma_semaphore, #tpu.memory_space<semaphore_mem>>) src(%dma_wait3A_693 : memref<384x128xf32, #tpu.memory_space<vmem_shared>>) dst(%arg11 : memref<128x128xf32, #tpu.memory_space<vmem>>)
      %mul3A_694 = arith.constant 128 : i32
      %mul3A_695 = arith.muli %add3A_688, %mul3A_694 : i32
      %dma_start3A_696 = tpu.memref_slice %arg7[%mul3A_695] : memref<4096xi32, #tpu.memory_space<vmem>> -> memref<128xi32, #tpu.memory_space<vmem>>
      %dma_start3A_697 = arith.constant 0 : i32
      %dma_start3A_698 = arith.constant 0 : i32
      %dma_start3A_699 = tpu.memref_slice %arg4[%dma_start3A_697, %dma_start3A_698] : memref<100000x128xf32, #tpu.memory_space<hbm>> -> memref<100000x128xf32, #tpu.memory_space<hbm>>
      tpu.enqueue_indirect_dma source(%dma_start3A_699 : memref<100000x128xf32, #tpu.memory_space<hbm>>) target(%arg11 : memref<128x128xf32, #tpu.memory_space<vmem>>) offsets(%dma_start3A_696 : memref<128xi32, #tpu.memory_space<vmem>>) semaphore(%arg15 : memref<!tpu.dma_semaphore, #tpu.memory_space<semaphore_mem>>) {add = true}
      %add3A_700 = arith.constant 1 : i32
      %add3A_701 = arith.addi %mul3A_35, %add3A_700 : i32
      %dma_wait3A_702 = arith.constant 128 : i32
      %dma_wait3A_703 = tpu.memref_slice %arg9[%dma_wait3A_702] : memref<512xi32, #tpu.memory_space<vmem>> -> memref<128xi32, #tpu.memory_space<vmem>>
      %dma_wait3A_704 = arith.constant 0 : i32
      %dma_wait3A_705 = arith.constant 0 : i32
      %dma_wait3A_706 = tpu.memref_slice %arg10[%dma_wait3A_704, %dma_wait3A_705] : memref<384x128xf32, #tpu.memory_space<vmem_shared>> -> memref<384x128xf32, #tpu.memory_space<vmem_shared>>
      tpu.wait_indirect_dma semaphore(%arg16 : memref<!tpu.dma_semaphore, #tpu.memory_space<semaphore_mem>>) src(%dma_wait3A_706 : memref<384x128xf32, #tpu.memory_space<vmem_shared>>) dst(%arg12 : memref<128x128xf32, #tpu.memory_space<vmem>>)
      %mul3A_707 = arith.constant 128 : i32
      %mul3A_708 = arith.muli %add3A_701, %mul3A_707 : i32
      %dma_start3A_709 = tpu.memref_slice %arg7[%mul3A_708] : memref<4096xi32, #tpu.memory_space<vmem>> -> memref<128xi32, #tpu.memory_space<vmem>>
      %dma_start3A_710 = arith.constant 0 : i32
      %dma_start3A_711 = arith.constant 0 : i32
      %dma_start3A_712 = tpu.memref_slice %arg4[%dma_start3A_710, %dma_start3A_711] : memref<100000x128xf32, #tpu.memory_space<hbm>> -> memref<100000x128xf32, #tpu.memory_space<hbm>>
      tpu.enqueue_indirect_dma source(%dma_start3A_712 : memref<100000x128xf32, #tpu.memory_space<hbm>>) target(%arg12 : memref<128x128xf32, #tpu.memory_space<vmem>>) offsets(%dma_start3A_709 : memref<128xi32, #tpu.memory_space<vmem>>) semaphore(%arg16 : memref<!tpu.dma_semaphore, #tpu.memory_space<semaphore_mem>>) {add = true}
      %add3A_713 = arith.constant 2 : i32
      %add3A_714 = arith.addi %mul3A_35, %add3A_713 : i32
      %dma_wait3A_715 = arith.constant 256 : i32
      %dma_wait3A_716 = tpu.memref_slice %arg9[%dma_wait3A_715] : memref<512xi32, #tpu.memory_space<vmem>> -> memref<128xi32, #tpu.memory_space<vmem>>
      %dma_wait3A_717 = arith.constant 0 : i32
      %dma_wait3A_718 = arith.constant 0 : i32
      %dma_wait3A_719 = tpu.memref_slice %arg10[%dma_wait3A_717, %dma_wait3A_718] : memref<384x128xf32, #tpu.memory_space<vmem_shared>> -> memref<384x128xf32, #tpu.memory_space<vmem_shared>>
      tpu.wait_indirect_dma semaphore(%arg17 : memref<!tpu.dma_semaphore, #tpu.memory_space<semaphore_mem>>) src(%dma_wait3A_719 : memref<384x128xf32, #tpu.memory_space<vmem_shared>>) dst(%arg13 : memref<128x128xf32, #tpu.memory_space<vmem>>)
      %mul3A_720 = arith.constant 128 : i32
      %mul3A_721 = arith.muli %add3A_714, %mul3A_720 : i32
      %dma_start3A_722 = tpu.memref_slice %arg7[%mul3A_721] : memref<4096xi32, #tpu.memory_space<vmem>> -> memref<128xi32, #tpu.memory_space<vmem>>
      %dma_start3A_723 = arith.constant 0 : i32
      %dma_start3A_724 = arith.constant 0 : i32
      %dma_start3A_725 = tpu.memref_slice %arg4[%dma_start3A_723, %dma_start3A_724] : memref<100000x128xf32, #tpu.memory_space<hbm>> -> memref<100000x128xf32, #tpu.memory_space<hbm>>
      tpu.enqueue_indirect_dma source(%dma_start3A_725 : memref<100000x128xf32, #tpu.memory_space<hbm>>) target(%arg13 : memref<128x128xf32, #tpu.memory_space<vmem>>) offsets(%dma_start3A_722 : memref<128xi32, #tpu.memory_space<vmem>>) semaphore(%arg17 : memref<!tpu.dma_semaphore, #tpu.memory_space<semaphore_mem>>) {add = true}
      %add3A_726 = arith.constant 3 : i32
      %add3A_727 = arith.addi %mul3A_35, %add3A_726 : i32
      %dma_wait3A_728 = arith.constant 384 : i32
      %dma_wait3A_729 = tpu.memref_slice %arg9[%dma_wait3A_728] : memref<512xi32, #tpu.memory_space<vmem>> -> memref<128xi32, #tpu.memory_space<vmem>>
      %dma_wait3A_730 = arith.constant 0 : i32
      %dma_wait3A_731 = arith.constant 0 : i32
      %dma_wait3A_732 = tpu.memref_slice %arg10[%dma_wait3A_730, %dma_wait3A_731] : memref<384x128xf32, #tpu.memory_space<vmem_shared>> -> memref<384x128xf32, #tpu.memory_space<vmem_shared>>
      tpu.wait_indirect_dma semaphore(%arg18 : memref<!tpu.dma_semaphore, #tpu.memory_space<semaphore_mem>>) src(%dma_wait3A_732 : memref<384x128xf32, #tpu.memory_space<vmem_shared>>) dst(%arg14 : memref<128x128xf32, #tpu.memory_space<vmem>>)
      %mul3A_733 = arith.constant 128 : i32
      %mul3A_734 = arith.muli %add3A_727, %mul3A_733 : i32
      %dma_start3A_735 = tpu.memref_slice %arg7[%mul3A_734] : memref<4096xi32, #tpu.memory_space<vmem>> -> memref<128xi32, #tpu.memory_space<vmem>>
      %dma_start3A_736 = arith.constant 0 : i32
      %dma_start3A_737 = arith.constant 0 : i32
      %dma_start3A_738 = tpu.memref_slice %arg4[%dma_start3A_736, %dma_start3A_737] : memref<100000x128xf32, #tpu.memory_space<hbm>> -> memref<100000x128xf32, #tpu.memory_space<hbm>>
      tpu.enqueue_indirect_dma source(%dma_start3A_738 : memref<100000x128xf32, #tpu.memory_space<hbm>>) target(%arg14 : memref<128x128xf32, #tpu.memory_space<vmem>>) offsets(%dma_start3A_735 : memref<128xi32, #tpu.memory_space<vmem>>) semaphore(%arg18 : memref<!tpu.dma_semaphore, #tpu.memory_space<semaphore_mem>>) {add = true}
      %add3A_739 = arith.constant 0 : i32
      %add3A_740 = arith.addi %mul3A_35, %add3A_739 : i32
      %mul3A_741 = arith.constant 128 : i32
      %mul3A_742 = arith.muli %add3A_740, %mul3A_741 : i32
      %dma_wait3A_743 = tpu.memref_slice %arg7[%mul3A_742] : memref<4096xi32, #tpu.memory_space<vmem>> -> memref<128xi32, #tpu.memory_space<vmem>>
      %dma_wait3A_744 = arith.constant 0 : i32
      %dma_wait3A_745 = arith.constant 0 : i32
      %dma_wait3A_746 = tpu.memref_slice %arg4[%dma_wait3A_744, %dma_wait3A_745] : memref<100000x128xf32, #tpu.memory_space<hbm>> -> memref<100000x128xf32, #tpu.memory_space<hbm>>
      tpu.wait_indirect_dma semaphore(%arg15 : memref<!tpu.dma_semaphore, #tpu.memory_space<semaphore_mem>>) src(%dma_wait3A_746 : memref<100000x128xf32, #tpu.memory_space<hbm>>) dst(%arg11 : memref<128x128xf32, #tpu.memory_space<vmem>>)
      %mul3A_747 = arith.constant 128 : i32
      %mul3A_748 = arith.muli %add3A_740, %mul3A_747 : i32
      %add3A_749 = arith.addi %mul3A_2, %mul3A_748 : i32
      %dma_start3A_750 = arith.constant 0 : i32
      %dma_start3A_751 = tpu.memref_slice %arg6[%add3A_749, %dma_start3A_750] : memref<131072x128xf32, #tpu.memory_space<hbm>> -> memref<128x128xf32, #tpu.memory_space<hbm>>
      %dma_start3A_752 = arith.constant 0 : i32
      %dma_start3A_753 = tpu.memref_slice %arg6[%add3A_749, %dma_start3A_752] : memref<131072x128xf32, #tpu.memory_space<hbm>> -> memref<128x128xf32, #tpu.memory_space<hbm>>
      tpu.enqueue_dma source(%arg11 : memref<128x128xf32, #tpu.memory_space<vmem>>) target(%dma_start3A_753 : memref<128x128xf32, #tpu.memory_space<hbm>>) target_semaphore(%arg19 : memref<!tpu.dma_semaphore, #tpu.memory_space<semaphore_mem>>)
      %add3A_754 = arith.constant 1 : i32
      %add3A_755 = arith.addi %mul3A_35, %add3A_754 : i32
      %mul3A_756 = arith.constant 128 : i32
      %mul3A_757 = arith.muli %add3A_755, %mul3A_756 : i32
      %dma_wait3A_758 = tpu.memref_slice %arg7[%mul3A_757] : memref<4096xi32, #tpu.memory_space<vmem>> -> memref<128xi32, #tpu.memory_space<vmem>>
      %dma_wait3A_759 = arith.constant 0 : i32
      %dma_wait3A_760 = arith.constant 0 : i32
      %dma_wait3A_761 = tpu.memref_slice %arg4[%dma_wait3A_759, %dma_wait3A_760] : memref<100000x128xf32, #tpu.memory_space<hbm>> -> memref<100000x128xf32, #tpu.memory_space<hbm>>
      tpu.wait_indirect_dma semaphore(%arg16 : memref<!tpu.dma_semaphore, #tpu.memory_space<semaphore_mem>>) src(%dma_wait3A_761 : memref<100000x128xf32, #tpu.memory_space<hbm>>) dst(%arg12 : memref<128x128xf32, #tpu.memory_space<vmem>>)
      %mul3A_762 = arith.constant 128 : i32
      %mul3A_763 = arith.muli %add3A_755, %mul3A_762 : i32
      %add3A_764 = arith.addi %mul3A_2, %mul3A_763 : i32
      %dma_start3A_765 = arith.constant 0 : i32
      %dma_start3A_766 = tpu.memref_slice %arg6[%add3A_764, %dma_start3A_765] : memref<131072x128xf32, #tpu.memory_space<hbm>> -> memref<128x128xf32, #tpu.memory_space<hbm>>
      %dma_start3A_767 = arith.constant 0 : i32
      %dma_start3A_768 = tpu.memref_slice %arg6[%add3A_764, %dma_start3A_767] : memref<131072x128xf32, #tpu.memory_space<hbm>> -> memref<128x128xf32, #tpu.memory_space<hbm>>
      tpu.enqueue_dma source(%arg12 : memref<128x128xf32, #tpu.memory_space<vmem>>) target(%dma_start3A_768 : memref<128x128xf32, #tpu.memory_space<hbm>>) target_semaphore(%arg20 : memref<!tpu.dma_semaphore, #tpu.memory_space<semaphore_mem>>)
      %add3A_769 = arith.constant 2 : i32
      %add3A_770 = arith.addi %mul3A_35, %add3A_769 : i32
      %mul3A_771 = arith.constant 128 : i32
      %mul3A_772 = arith.muli %add3A_770, %mul3A_771 : i32
      %dma_wait3A_773 = tpu.memref_slice %arg7[%mul3A_772] : memref<4096xi32, #tpu.memory_space<vmem>> -> memref<128xi32, #tpu.memory_space<vmem>>
      %dma_wait3A_774 = arith.constant 0 : i32
      %dma_wait3A_775 = arith.constant 0 : i32
      %dma_wait3A_776 = tpu.memref_slice %arg4[%dma_wait3A_774, %dma_wait3A_775] : memref<100000x128xf32, #tpu.memory_space<hbm>> -> memref<100000x128xf32, #tpu.memory_space<hbm>>
      tpu.wait_indirect_dma semaphore(%arg17 : memref<!tpu.dma_semaphore, #tpu.memory_space<semaphore_mem>>) src(%dma_wait3A_776 : memref<100000x128xf32, #tpu.memory_space<hbm>>) dst(%arg13 : memref<128x128xf32, #tpu.memory_space<vmem>>)
      %mul3A_777 = arith.constant 128 : i32
      %mul3A_778 = arith.muli %add3A_770, %mul3A_777 : i32
      %add3A_779 = arith.addi %mul3A_2, %mul3A_778 : i32
      %dma_start3A_780 = arith.constant 0 : i32
      %dma_start3A_781 = tpu.memref_slice %arg6[%add3A_779, %dma_start3A_780] : memref<131072x128xf32, #tpu.memory_space<hbm>> -> memref<128x128xf32, #tpu.memory_space<hbm>>
      %dma_start3A_782 = arith.constant 0 : i32
      %dma_start3A_783 = tpu.memref_slice %arg6[%add3A_779, %dma_start3A_782] : memref<131072x128xf32, #tpu.memory_space<hbm>> -> memref<128x128xf32, #tpu.memory_space<hbm>>
      tpu.enqueue_dma source(%arg13 : memref<128x128xf32, #tpu.memory_space<vmem>>) target(%dma_start3A_783 : memref<128x128xf32, #tpu.memory_space<hbm>>) target_semaphore(%arg21 : memref<!tpu.dma_semaphore, #tpu.memory_space<semaphore_mem>>)
      %add3A_784 = arith.constant 3 : i32
      %add3A_785 = arith.addi %mul3A_35, %add3A_784 : i32
      %mul3A_786 = arith.constant 128 : i32
      %mul3A_787 = arith.muli %add3A_785, %mul3A_786 : i32
      %dma_wait3A_788 = tpu.memref_slice %arg7[%mul3A_787] : memref<4096xi32, #tpu.memory_space<vmem>> -> memref<128xi32, #tpu.memory_space<vmem>>
      %dma_wait3A_789 = arith.constant 0 : i32
      %dma_wait3A_790 = arith.constant 0 : i32
      %dma_wait3A_791 = tpu.memref_slice %arg4[%dma_wait3A_789, %dma_wait3A_790] : memref<100000x128xf32, #tpu.memory_space<hbm>> -> memref<100000x128xf32, #tpu.memory_space<hbm>>
      tpu.wait_indirect_dma semaphore(%arg18 : memref<!tpu.dma_semaphore, #tpu.memory_space<semaphore_mem>>) src(%dma_wait3A_791 : memref<100000x128xf32, #tpu.memory_space<hbm>>) dst(%arg14 : memref<128x128xf32, #tpu.memory_space<vmem>>)
      %mul3A_792 = arith.constant 128 : i32
      %mul3A_793 = arith.muli %add3A_785, %mul3A_792 : i32
      %add3A_794 = arith.addi %mul3A_2, %mul3A_793 : i32
      %dma_start3A_795 = arith.constant 0 : i32
      %dma_start3A_796 = tpu.memref_slice %arg6[%add3A_794, %dma_start3A_795] : memref<131072x128xf32, #tpu.memory_space<hbm>> -> memref<128x128xf32, #tpu.memory_space<hbm>>
      %dma_start3A_797 = arith.constant 0 : i32
      %dma_start3A_798 = tpu.memref_slice %arg6[%add3A_794, %dma_start3A_797] : memref<131072x128xf32, #tpu.memory_space<hbm>> -> memref<128x128xf32, #tpu.memory_space<hbm>>
      tpu.enqueue_dma source(%arg14 : memref<128x128xf32, #tpu.memory_space<vmem>>) target(%dma_start3A_798 : memref<128x128xf32, #tpu.memory_space<hbm>>) target_semaphore(%arg22 : memref<!tpu.dma_semaphore, #tpu.memory_space<semaphore_mem>>)
    }
    %scan3A_9 = arith.constant 8 : i32
    %dma_wait3A = arith.constant 0 : i32
    %dma_wait3A_10 = arith.constant 0 : i32
    %dma_wait3A_11 = tpu.memref_slice %arg6[%dma_wait3A, %dma_wait3A_10] : memref<131072x128xf32, #tpu.memory_space<hbm>> -> memref<128x128xf32, #tpu.memory_space<hbm>>
    %dma_wait3A_12 = arith.constant 0 : i32
    %dma_wait3A_13 = arith.constant 0 : i32
    %dma_wait3A_14 = tpu.memref_slice %arg6[%dma_wait3A_12, %dma_wait3A_13] : memref<131072x128xf32, #tpu.memory_space<hbm>> -> memref<128x128xf32, #tpu.memory_space<hbm>>
    tpu.wait_dma2 semaphore(%arg19 : memref<!tpu.dma_semaphore, #tpu.memory_space<semaphore_mem>>) src(%arg11 : memref<128x128xf32, #tpu.memory_space<vmem>>) dst(%dma_wait3A_14 : memref<128x128xf32, #tpu.memory_space<hbm>>)
    %dma_wait3A_15 = arith.constant 0 : i32
    %dma_wait3A_16 = arith.constant 0 : i32
    %dma_wait3A_17 = tpu.memref_slice %arg6[%dma_wait3A_15, %dma_wait3A_16] : memref<131072x128xf32, #tpu.memory_space<hbm>> -> memref<128x128xf32, #tpu.memory_space<hbm>>
    %dma_wait3A_18 = arith.constant 0 : i32
    %dma_wait3A_19 = arith.constant 0 : i32
    %dma_wait3A_20 = tpu.memref_slice %arg6[%dma_wait3A_18, %dma_wait3A_19] : memref<131072x128xf32, #tpu.memory_space<hbm>> -> memref<128x128xf32, #tpu.memory_space<hbm>>
    tpu.wait_dma2 semaphore(%arg20 : memref<!tpu.dma_semaphore, #tpu.memory_space<semaphore_mem>>) src(%arg12 : memref<128x128xf32, #tpu.memory_space<vmem>>) dst(%dma_wait3A_20 : memref<128x128xf32, #tpu.memory_space<hbm>>)
    %dma_wait3A_21 = arith.constant 0 : i32
    %dma_wait3A_22 = arith.constant 0 : i32
    %dma_wait3A_23 = tpu.memref_slice %arg6[%dma_wait3A_21, %dma_wait3A_22] : memref<131072x128xf32, #tpu.memory_space<hbm>> -> memref<128x128xf32, #tpu.memory_space<hbm>>
    %dma_wait3A_24 = arith.constant 0 : i32
    %dma_wait3A_25 = arith.constant 0 : i32
    %dma_wait3A_26 = tpu.memref_slice %arg6[%dma_wait3A_24, %dma_wait3A_25] : memref<131072x128xf32, #tpu.memory_space<hbm>> -> memref<128x128xf32, #tpu.memory_space<hbm>>
    tpu.wait_dma2 semaphore(%arg21 : memref<!tpu.dma_semaphore, #tpu.memory_space<semaphore_mem>>) src(%arg13 : memref<128x128xf32, #tpu.memory_space<vmem>>) dst(%dma_wait3A_26 : memref<128x128xf32, #tpu.memory_space<hbm>>)
    %dma_wait3A_27 = arith.constant 0 : i32
    %dma_wait3A_28 = arith.constant 0 : i32
    %dma_wait3A_29 = tpu.memref_slice %arg6[%dma_wait3A_27, %dma_wait3A_28] : memref<131072x128xf32, #tpu.memory_space<hbm>> -> memref<128x128xf32, #tpu.memory_space<hbm>>
    %dma_wait3A_30 = arith.constant 0 : i32
    %dma_wait3A_31 = arith.constant 0 : i32
    %dma_wait3A_32 = tpu.memref_slice %arg6[%dma_wait3A_30, %dma_wait3A_31] : memref<131072x128xf32, #tpu.memory_space<hbm>> -> memref<128x128xf32, #tpu.memory_space<hbm>>
    tpu.wait_dma2 semaphore(%arg22 : memref<!tpu.dma_semaphore, #tpu.memory_space<semaphore_mem>>) src(%arg14 : memref<128x128xf32, #tpu.memory_space<vmem>>) dst(%dma_wait3A_32 : memref<128x128xf32, #tpu.memory_space<hbm>>)
    return
  }
}

module attributes {stable_mosaic.version = 14 : i64} {
  func.func @comb_tc(%arg0: memref<3x128xf32, #tpu.memory_space<vmem>>, %arg1: memref<128x128xf32, #tpu.memory_space<vmem>>, %arg2: memref<384x128xf32, #tpu.memory_space<vmem>>) attributes {dimension_semantics = [], scalar_prefetch = 0 : i64, scratch_operands = 0 : i64, tpu.core_type = #tpu.core_type<tc>} {
    %get3A = arith.constant 0 : index
    %get3A_0 = arith.constant 0 : index
    %get3A_1 = vector.load %arg1[%get3A, %get3A_0] : memref<128x128xf32, #tpu.memory_space<vmem>>, vector<128x128xf32>
    %get3A_2 = arith.constant 0 : index
    %get3A_3 = arith.constant 0 : index
    %get3A_4 = vector.load %arg0[%get3A_2, %get3A_3] : memref<3x128xf32, #tpu.memory_space<vmem>>, vector<1x128xf32>
    %get3A_5 = vector.shape_cast %get3A_4 : vector<1x128xf32> to vector<128xf32>
    %broadcast_in_dim3A = vector.shape_cast %get3A_5 : vector<128xf32> to vector<1x128xf32>
    %add3A = vector.broadcast %broadcast_in_dim3A : vector<1x128xf32> to vector<128x128xf32>
    %add3A_6 = arith.addf %get3A_1, %add3A : vector<128x128xf32>
    %swap3A = arith.constant 0 : index
    %swap3A_7 = arith.constant 0 : index
    %swap3A_8 = vector.load %arg2[%swap3A, %swap3A_7] : memref<384x128xf32, #tpu.memory_space<vmem>>, vector<128x128xf32>
    tpu.vector_store %arg2[%swap3A, %swap3A_7], %add3A_6 {strides = array<i32>} : memref<384x128xf32, #tpu.memory_space<vmem>>, vector<128x128xf32>,
    %get3A_9 = arith.constant 0 : index
    %get3A_10 = arith.constant 0 : index
    %get3A_11 = vector.load %arg1[%get3A_9, %get3A_10] : memref<128x128xf32, #tpu.memory_space<vmem>>, vector<128x128xf32>
    %get3A_12 = arith.constant 1 : index
    %get3A_13 = arith.constant 0 : index
    %get3A_14 = vector.load %arg0[%get3A_12, %get3A_13] : memref<3x128xf32, #tpu.memory_space<vmem>>, vector<1x128xf32>
    %get3A_15 = vector.shape_cast %get3A_14 : vector<1x128xf32> to vector<128xf32>
    %broadcast_in_dim3A_16 = vector.shape_cast %get3A_15 : vector<128xf32> to vector<1x128xf32>
    %add3A_17 = vector.broadcast %broadcast_in_dim3A_16 : vector<1x128xf32> to vector<128x128xf32>
    %add3A_18 = arith.addf %get3A_11, %add3A_17 : vector<128x128xf32>
    %swap3A_19 = arith.constant 128 : index
    %swap3A_20 = arith.constant 0 : index
    %swap3A_21 = vector.load %arg2[%swap3A_19, %swap3A_20] : memref<384x128xf32, #tpu.memory_space<vmem>>, vector<128x128xf32>
    tpu.vector_store %arg2[%swap3A_19, %swap3A_20], %add3A_18 {strides = array<i32>} : memref<384x128xf32, #tpu.memory_space<vmem>>, vector<128x128xf32>,
    %get3A_22 = arith.constant 0 : index
    %get3A_23 = arith.constant 0 : index
    %get3A_24 = vector.load %arg1[%get3A_22, %get3A_23] : memref<128x128xf32, #tpu.memory_space<vmem>>, vector<128x128xf32>
    %get3A_25 = arith.constant 2 : index
    %get3A_26 = arith.constant 0 : index
    %get3A_27 = vector.load %arg0[%get3A_25, %get3A_26] : memref<3x128xf32, #tpu.memory_space<vmem>>, vector<1x128xf32>
    %get3A_28 = vector.shape_cast %get3A_27 : vector<1x128xf32> to vector<128xf32>
    %broadcast_in_dim3A_29 = vector.shape_cast %get3A_28 : vector<128xf32> to vector<1x128xf32>
    %add3A_30 = vector.broadcast %broadcast_in_dim3A_29 : vector<1x128xf32> to vector<128x128xf32>
    %add3A_31 = arith.addf %get3A_24, %add3A_30 : vector<128x128xf32>
    %swap3A_32 = arith.constant 256 : index
    %swap3A_33 = arith.constant 0 : index
    %swap3A_34 = vector.load %arg2[%swap3A_32, %swap3A_33] : memref<384x128xf32, #tpu.memory_space<vmem>>, vector<128x128xf32>
    tpu.vector_store %arg2[%swap3A_32, %swap3A_33], %add3A_31 {strides = array<i32>} : memref<384x128xf32, #tpu.memory_space<vmem>>, vector<128x128xf32>,
    return
  }
}

</mosaic_0001>

<sc_bundles>
// kernel: kernel.4.cloned.1.call-start
scs
__scs_entry_jumppad:
0x0: {  	(pc) =	sbr.rel $0x88, $3  }
0x1: {  	(tag) =	ssettag $0x0;
	lr =	simm.s32 $0x1  }
0x2: {  	[smem:$0x3F9C] =	sst lr;
	_ =	strace $0xD0000000  }
0x3: {  	_ = 	snop  }
0x4: {  	_ = 	snop  }
0x5: {  	_ = 	snop  }
0x6: {  	_ = 	snop  }
0x7: {  	_ = 	snop  }
__scs_overlays_trampoline_lowered:
0x8: {  	[smem:$0x3FAB] =	sst s0  }
0x9: {  	[smem:$0x3FAC] =	sst s1  }
0xa: {  	[smem:$0x3FAD] =	sst s2  }
0xb: {  	[smem:$0x3FAE] =	sst s3  }
0xc: {  	[smem:$0x3FAF] =	sst s4  }
0xd: {  	[smem:$0x3FB0] =	sst s5  }
0xe: {  	[smem:$0x3FB1] =	sst s6  }
0xf: {  	[smem:$0x3FB2] =	sst s7  }
0x10: {  	[smem:$0x3FB3] =	sst s8  }
0x11: {  	[smem:$0x3FB4] =	sst s9;
	s0 =	simm.s32 @!p0 $0x0  }
0x12: {  	s1 =	sld [smem:$0x3F9A];
	s0 =	simm.s32 @p0 $0x1  }
0x13: {  	[smem:$0x3FB5] =	sst s0;
	s0 =	simm.s32 @!p1 $0x0  }
0x14: {  	s2 =	sld [smem:$0x3F99];
	s0 =	simm.s32 @p1 $0x1  }
0x15: {  	[smem:$0x3FB6] =	sst s0;
	s0 =	simm.s32 @!p2 $0x0  }
0x16: {  	s3 =	sld [smem:$0x3FDB];
	s0 =	simm.s32 @p2 $0x1  }
0x17: {  	s4 =	simm.s32 $0x1BF5;
	[smem:$0x3FB8] =	sst s0  }
0x18: {  	s0 =	sld [smem:$0x3F9B];
	_ =	swait.ge [sflag:s4], $0x0  }
0x19: {  	s7 =	sld [smem:$0x3F9C]  }
0x1a: {  	s8 =	sadd.s32 $0xFFFFE003, lr  }
0x1b: {  	s9 =	sadd.s32 $0xFFFFFEF7, lr;
	s5 =	simm.s32 $0xFFFFFFFF;
	p2 =	slt.u32 s8, $0xFFFFF086  }
0x1c: {  	p1 =	slt.u32 s9, $0xF7A;
	s5 =	simm.s32 @!p2 $0x0  }
0x1d: {  	s5 =	simm.s32 @p1 $0x1;
	p0 =	seq.s32 s7, s2  }
0x1e: {  	s7 =	smul.u32 @!p0 $0xF7A, s2;
	p2 =	seq.s32 @!p0 s5, $0x0  }
0x1f: {  	s9 =	smul.u32 $0xF7A, s1;
	s8 =	simm.s32 @!p0 $0x1BF5;
	p2 =	por !p2, p0  }
0x20: {  	[sflag:s8] =	ssyncset.s32 @!p0 $0xFFFFF086;
	s6 =	sadd.s32 @!p0 s3, s7;
	s7 =	simm.s32 @!p0 $0x108  }
0x21: {  	s3 =	sadd.s32 s3, s9;
	s6 =	sadd.s32 @!p0 $0x88, s6;
	s7 =	simm.s32 @p2 $0x1082  }
0x22: {  	[simem:s7], [sflag:s8] =	dma.local @!p0 [hbm:s6], $0xF7A  }
0x23: {  	s9 =	sor.u32 $0xD0000000, s2;
	s6 =	simm.s32 $0x108;
	_ =	swait.ge @!p0 [sflag:s8], $0x0  }
0x24: {  	s3 =	sadd.s32 $0x88, s3;
	s6 =	simm.s32 @!p1 $0x1082;
	[sflag:s4] =	ssyncset.s32 $0xFFFFF086  }
0x25: {  	[simem:s6], [sflag:s4] =	dma.local [hbm:s3], $0xF7A  }
0x26: {  	[smem:$0x3F9C] =	sst s1;
	(tag) =	ssettag s2;
	_ =	strace s9  }
0x27: {  	s1 =	sld [smem:$0x3FAC]  }
0x28: {  	s2 =	sld [smem:$0x3FAD]  }
0x29: {  	s4 =	sld [smem:$0x3FAF]  }
0x2a: {  	p0 =	seq.s32 s5, $0x0;
	s5 =	sld [smem:$0x3FB0]  }
0x2b: {  	s6 =	sld [smem:$0x3FB1]  }
0x2c: {  	s7 =	sld [smem:$0x3FB2]  }
0x2d: {  	s3 =	simm.s32 $0x108;
	s8 =	sld [smem:$0x3FB3]  }
0x2e: {  	s3 =	simm.s32 @!p0 $0x1082;
	s9 =	sld [smem:$0x3FB4]  }
0x2f: {  	lr =	sadd.s32 s0, s3;
	s0 =	sld [smem:$0x3FAB]  }
0x30: {  	s3 =	sld [smem:$0x3FAE]  }
0x31: {  	[smem:$0x3FB7] =	sst s10  }
0x32: {  	s10 =	sld [smem:$0x3FB5];
	_ =	sdelay $0x3  }
0x33: {  	p0 =	seq.s32 s10, $0x1;
	s10 =	sld [smem:$0x3FB7];
	_ =	sdelay $0x3  }
0x34: {  	[smem:$0x3FB7] =	sst s10  }
0x35: {  	s10 =	sld [smem:$0x3FB6];
	_ =	sdelay $0x3  }
0x36: {  	p1 =	seq.s32 s10, $0x1;
	s10 =	sld [smem:$0x3FB7];
	_ =	sdelay $0x3  }
0x37: {  	[smem:$0x3FB7] =	sst s10  }
0x38: {  	s10 =	sld [smem:$0x3FB8]  }
0x39: {  	_ = 	snop;
	(pc) =	sbr.ind lr, $3  }
0x3a: {  	_ = 	snop  }
0x3b: {  	_ = 	snop  }
0x3c: {  	p2 =	seq.s32 s10, $0x1;
	s10 =	sld [smem:$0x3FB7]  }
0x3d: {  	_ =	shalt  }
0x3e: {  	_ =	shalt  }
0x3f: {  	_ =	shalt  }
0x40: {  	_ =	shalt  }
0x41: {  	_ =	shalt  }
0x42: {  	_ =	shalt  }
0x43: {  	_ =	shalt  }
0x44: {  	_ =	shalt  }
0x45: {  	_ =	shalt  }
0x46: {  	_ =	shalt  }
0x47: {  	_ =	shalt  }
0x48: {  	_ =	shalt  }
0x49: {  	_ =	shalt  }
0x4a: {  	_ =	shalt  }
0x4b: {  	_ =	shalt  }
0x4c: {  	_ =	shalt  }
0x4d: {  	_ =	shalt  }
0x4e: {  	_ =	shalt  }
0x4f: {  	_ =	shalt  }
0x50: {  	_ =	shalt  }
0x51: {  	_ =	shalt  }
0x52: {  	_ =	shalt  }
0x53: {  	_ =	shalt  }
0x54: {  	_ =	shalt  }
0x55: {  	_ =	shalt  }
0x56: {  	_ =	shalt  }
0x57: {  	_ =	shalt  }
0x58: {  	_ =	shalt  }
0x59: {  	_ =	shalt  }
0x5a: {  	_ =	shalt  }
0x5b: {  	_ =	shalt  }
0x5c: {  	_ =	shalt  }
0x5d: {  	_ =	shalt  }
0x5e: {  	_ =	shalt  }
0x5f: {  	_ =	shalt  }
0x60: {  	_ =	shalt  }
0x61: {  	_ =	shalt  }
0x62: {  	_ =	shalt  }
0x63: {  	_ =	shalt  }
0x64: {  	_ =	shalt  }
0x65: {  	_ =	shalt  }
0x66: {  	_ =	shalt  }
0x67: {  	_ =	shalt  }
0x68: {  	_ =	shalt  }
0x69: {  	_ =	shalt  }
0x6a: {  	_ =	shalt  }
0x6b: {  	_ =	shalt  }
0x6c: {  	_ =	shalt  }
0x6d: {  	_ =	shalt  }
0x6e: {  	_ =	shalt  }
0x6f: {  	_ =	shalt  }
0x70: {  	_ =	shalt  }
0x71: {  	_ =	shalt  }
0x72: {  	_ =	shalt  }
0x73: {  	_ =	shalt  }
0x74: {  	_ =	shalt  }
0x75: {  	_ =	shalt  }
0x76: {  	_ =	shalt  }
0x77: {  	_ =	shalt  }
0x78: {  	_ =	shalt  }
0x79: {  	_ =	shalt  }
0x7a: {  	_ =	shalt  }
0x7b: {  	_ =	shalt  }
0x7c: {  	_ =	shalt  }
0x7d: {  	_ =	shalt  }
0x7e: {  	_ =	shalt  }
0x7f: {  	_ =	shalt  }
0x80: {  	_ =	shalt  }
0x81: {  	_ =	shalt  }
0x82: {  	_ =	shalt  }
0x83: {  	_ =	shalt  }
0x84: {  	_ =	shalt  }
0x85: {  	_ =	shalt  }
0x86: {  	_ =	shalt  }
0x87: {  	_ =	shalt  }
.Lfunc_end0:
.L_simem_size_0:
called_computation_lowered:
.L_overlay_start_0:
0x88: {  	s2 =	sld [smem:$0x3FD9]  }
0x89: {  	s3 =	sld [smem:$0x3FFE];
	_ =	sdelay $0x1  }
0x8a: {  	s1 =	srdreg.scid  }
0x8b: {  	s0 =	sand.u32 $0x1, s1  }
0x8c: {  	s17 =	sshll.u32 s0, $0xA;
	s2 =	sadd.s32 s3, s2  }
0x8d: {  	s2 =	sadd.s32 s2, s17  }
0x8e: {  	[smem:$0x3FC3] =	sst s2  }
0x8f: {  	_ = 	snop  }
0x90: {  	s2 =	sld [smem:$0x3FC9]  }
0x91: {  	s18 =	sld [smem:$0x3FC8]  }
0x92: {  	s4 =	sld [smem:$0x3FC7]  }
0x93: {  	s5 =	sld [smem:$0x3FD0];
	(tm) =	ssettm $0x1  }
0x94: {  	s6 =	sld [smem:$0x3FFB];
	_ =	sdelay $0x3  }
0x95: {  	_ =	strace s6  }
0x96: {  	s6 =	sld [smem:$0x3FFC];
	_ =	sdelay $0x3  }
0x97: {  	_ =	strace s6  }
0x98: {  	s6 =	sld [smem:$0x3FFD];
	_ =	sdelay $0x3  }
0x99: {  	_ =	strace s6  }
0x9a: {  	_ =	strace $0x8FFFFFFF  }
0x9b: {  	s19 =	sld [smem:$0x3FDB];
	_ =	sdelay $0x1  }
0x9c: {  	s7 =	simm.s32 $_scs_section_size  }
0x9d: {  	s8 =	simm.s32 $_size__tile_overlayer_lowered;
	s9 =	simm.s32 $_tile_overlayer_lowered  }
0x9e: {  	s22 =	simm.s32 $0x1BFF;
	s21 =	sshll.u32 s9, $0x1;
	s6 =	sadd.s32 s7, s19  }
0x9f: {  	s10 =	simm.s32 $0x0;
	s20 =	sshll.u32 s8, $0x1;
	s8 =	sadd.s32 s21, s6  }
0xa0: {  	[timem:s10], [sflag:s22] =	dma.local [hbm:s8], s20  }
0xa1: {  	_ =	swait.ge [sflag:s22], s20  }
0xa2: {  	s7 =	ssub.s32 $0x0, s20;
	[sflag:s22] =	ssyncset.done $0x0  }
0xa3: {  	[sflag:s22] =	ssyncadd.s32 s7;
	_ =	sdelay $0x1  }
0xa4: {  	s23 =	simm.s32 $0x1B8B  }
0xa5: {  	_ =	swait.ge [sflag:s23], $0x1  }
0xa6: {  	[sflag:s23] =	ssyncset.done $0x0  }
0xa7: {  	s25 =	simm.s32 $0x1B8E;
	s24 =	sld [smem:$0x3FFE];
	[sflag:s23] =	ssyncadd.s32 $0xFFFFFFFF  }
0xa8: {  	s26 =	simm.s32 $execute0_lowered;
	[smem:$0x3FD2] =	sst s25  }
0xa9: {  	s8 =	sshll.u32 s26, $0x1;
	_ =	strace $0x80000046;
	[dreg:$0x1] =	wrdreg $0xFFFFFFFF  }
0xaa: {  	s28 =	simm.s32 $_size_execute0_lowered;
	s6 =	sadd.s32 s6, s8;
	[dreg:$0x0] =	wrdreg $0x0  }
0xab: {  	s8 =	sshll.u32 s28, $0x1;
	[dreg:$0x2] =	wrdreg s6  }
0xac: {  	[dreg:$0x3] =	wrdreg s8  }
0xad: {  	[dreg:$0x4] =	wrdreg $0xC0  }
0xae: {  	_ =	task [dreg:s10], $0x5FFFF  }
0xaf: {  	[dreg:$0x1] =	wrdreg $0xFFFFFFFF  }
0xb0: {  	[dreg:$0x0] =	wrdreg $0x60  }
0xb1: {  	[dreg:$0x2] =	wrdreg s2  }
0xb2: {  	[dreg:$0x3] =	wrdreg s18  }
0xb3: {  	[dreg:$0x4] =	wrdreg s4  }
0xb4: {  	[dreg:$0x5] =	wrdreg s24  }
0xb5: {  	[dreg:$0x6] =	wrdreg s5  }
0xb6: {  	[dreg:$0x7] =	wrdreg $0x22000  }
0xb7: {  	[dreg:$0x8] =	wrdreg $0x9  }
0xb8: {  	_ =	task.clear_ibuf [dreg:s10], $0x9FFFF;
	_ =	strace $0x90000046  }
0xb9: {  	s29 =	simm.s32 $0x9;
	_ =	strace $0x80000048  }
0xba: {  	_ =	swait.ge [sflag:s29], $0x1  }
0xbb: {  	[sflag:s29] =	ssyncadd.s32 $0xFFFFFFFF  }
0xbc: {  	_ =	strace $0x90000048  }
0xbd: {  	_ =	sfence  }
0xbe: {  	s30 =	sld [smem:$0x0];
	_ =	sdelay $0x2  }
0xbf: {  	s31 =	sshll.u32 s1, $0xD;
	s1 =	sshrl.u32 s1, $0x2  }
0xc0: {  	s3 =	sand.u32 $0x4000, s31;
	s1 =	sadd.s32 s1, s30  }
0xc1: {  	s0 =	sor.u32 s3, s0;
	s1 =	sshll.u32 s1, $0x11  }
0xc2: {  	s0 =	sor.u32 s1, s0  }
0xc3: {  	s0 =	sadd.s32 $0x8F2B, s0  }
0xc4: {  	[sflag:s0] =	ssyncadd.remote.s32 $0x1  }
0xc5: {  	_ =	sfence.sel $0xFFFF  }
0xc6: {  	[dreg:$0x0] =	wrdreg $0xFFFFFFFF;
	(pc) =	sbr.abs _section_cstart, $3  }
0xc7: {  	[dreg:$0x1] =	wrdreg $0xFFFFFFFF  }
0xc8: {  	_ =	task.clear_ibuf [dreg:s10], $0x2FFFF;
	_ =	strace $0x9FFFFFFF  }
0xc9: {  	(tm) =	ssettm $0x7FFFFFFF  }
tec
execute0_lowered:
.L_overlay_start_1:
0x0: {  	(tag) =	ssettag $0x1  }
0x1: {  	s0 =	rddreg [dreg:$0x0]  }
0x2: {  	s6 =	rddreg [dreg:$0x1]  }
0x3: {  	s1 =	rddreg [dreg:$0x2]  }
0x4: {  	s4 =	rddreg [dreg:$0x3]  }
0x5: {  	s7 =	rddreg [dreg:$0x4]  }
0x6: {  	s2 =	rddreg [dreg:$0x5];
	s5 =	srdreg.scid  }
0x7: {  	s3 =	simm.s32 $0x0;
	s9 =	stileid.u32;
	s13 =	simm.s32 $0x2000  }
0x8: {  	s14 =	simm.s32 $0x2E00;
	s15 =	simm.s32 $0x2080;
	s16 =	simm.s32 $0x6E00  }
0x9: {  	s17 =	simm.s32 $0x2100;
	s18 =	simm.s32 $0xAE00;
	s19 =	simm.s32 $0x2180  }
0xa: {  	s20 =	simm.s32 $0xEE00;
	s21 =	simm.s32 $0x1;
	s22 =	simm.s32 $0x2  }
0xb: {  	s23 =	simm.s32 $0x3;
	s24 =	simm.s32 $0x4;
	s28 =	simm.s32 $0x7  }
0xc: {  	s29 =	simm.s32 $0x8;
	s30 =	simm.s32 $0x0;
	s8 =	sand.u32 $0x1, s5  }
0xd: {  	[smem:$0x7FF] =	sst s3;
	s25 =	sshll.u32 s9, $0xD;
	s4 =	sadd.s32 $0xA00, s4  }
0xe: {  	s31 =	sshll.u32 s9, $0x11;
	p0 =	sne.s32 s9, $0x0;
	s9 =	simm.s32 $0x9  }
0xf: {  	s10 =	sshll.u32 s8, $0xC;
	_ =	strace $0x80000047;
	s11 =	ssub.s32 $0x2, s8  }
0x10: {  	[dreg:$0x7] =	wrdreg s4;
	s8 =	sshll.u32 s8, $0x10;
	s5 =	sor.u32 s10, s25  }
0x11: {  	v0 =	vlaneseq.u32;
	s26 =	sshrl.u32 s11, $0x1;
	s25 =	simm.s32 $0x5;
	s12 =	sshrl.u32 s5, $0x3  }
0x12: {  	v1 =	vor.u32 $0x10, v0;
	s10 =	ssub.s32 s11, s26;
	s11 =	sshrl.u32 @!p0 s2, $0x3;
	s26 =	simm.s32 $0x6  }
0x13: {  	v2 =	vor.u32 $0x20, v0;
	v3 =	vor.u32 $0x30, v0;
	v4 =	vor.u32 $0x40, v0;
	s5 =	sadd.s32 s0, s12;
	s6 =	sadd.s32 s6, s12;
	s0 =	sadd.s32 s31, s7  }
0x14: {  	v5 =	vor.u32 $0x50, v0;
	v6 =	vor.u32 $0x60, v0;
	v7 =	vor.u32 $0x70, v0;
	s7 =	smax.u32 s10, $0x1;
	s12 =	simm.s32 $0x80;
	s8 =	sadd.s32 s8, s0  }
.LBB2_1:
0x15: {  	[tilespmem:s3], [sflag:$0x9] =	stream.linear.gather [hbm4b:s5+s3], $0x1000, $0x38;
	[tilespmem:$0x12E00] =	vst v63  }
0x16: {  	_ =	swait.ge [sflag:s9], $0x1000  }
0x17: {  	[sflag:s9] =	ssyncset.done $0x0  }
0x18: {  	s0 =	simm.s32 $0x1000;
	[sflag:s9] =	ssyncadd.s32 $0xFFFFF000  }
0x19: {  	[tilespmem:s0], [sflag:$0x9] =	stream.linear.gather [hbm4b:s6+s3], $0x1000, $0x38;
	[tilespmem:$0x12E00] =	vst v63  }
0x1a: {  	_ =	swait.ge [sflag:s9], $0x1000  }
0x1b: {  	[sflag:s9] =	ssyncset.done $0x0  }
0x1c: {  	s0 =	simm.s32 @!p0 $0x1C09;
	s4 =	rddreg [dreg:$0x7];
	[sflag:s9] =	ssyncadd.s32 $0xFFFFF000  }
0x1d: {  	[spmem:s11], [sflag:s0] =	dma.local @!p0 [hbm:s4], $0x1800  }
0x1e: {  	s0 =	simm.s32 @!p0 $0x9  }
0x1f: {  	_ =	swait.ge @!p0 [sflag:s0], $0x1800  }
0x20: {  	[sflag:s0] =	ssyncset.done @!p0 $0x0  }
0x21: {  	[sflag:s0] =	ssyncadd.s32 @!p0 $0xFFFFE800  }
0x22: {  	s31 =	smov.u32 s8;
	s0 =	simm.s32 $0x0;
	[bflag:$0x0] =	sbarrier.arrive $0xFFFF  }
.LBB2_2:
0x23: {  	p1 =	seq.s32 s0, $0x0  }
0x24: {  	s10 =	simm.s32 @!p1 $0x5  }
0x25: {  	_ =	swait.ge @!p1 [sflag:s10], $0x4000  }
0x26: {  	[sflag:s10] =	ssyncset.done @!p1 $0x0  }
0x27: {  	[sflag:s10] =	ssyncadd.s32 @!p1 $0xFFFFC000;
	s10 =	sshra.s32 s0, $0x2  }
0x28: {  	v8 =	vld [tilespmem:s10+$0x1000];
	_ =	sdelay $0x4  }
0x29: {  	v8 =	vshll.u32 v8, $0x7  }
0x2a: {  	v8 =	vor.u32 v0, v8  }
0x2b: {  	[tilespmem:$0x2000] =	vst v8  }
0x2c: {  	v8 =	vld [tilespmem:s10+$0x1010];
	_ =	sdelay $0x4  }
0x2d: {  	v8 =	vshll.u32 v8, $0x7  }
0x2e: {  	v8 =	vor.u32 v1, v8  }
0x2f: {  	[tilespmem:$0x2010] =	vst v8  }
0x30: {  	v8 =	vld [tilespmem:s10+$0x1020];
	_ =	sdelay $0x4  }
0x31: {  	v8 =	vshll.u32 v8, $0x7  }
0x32: {  	v8 =	vor.u32 v2, v8  }
0x33: {  	[tilespmem:$0x2020] =	vst v8  }
0x34: {  	v8 =	vld [tilespmem:s10+$0x1030];
	_ =	sdelay $0x4  }
0x35: {  	v8 =	vshll.u32 v8, $0x7  }
0x36: {  	v8 =	vor.u32 v3, v8  }
0x37: {  	[tilespmem:$0x2030] =	vst v8  }
0x38: {  	v8 =	vld [tilespmem:s10+$0x1040];
	_ =	sdelay $0x4  }
0x39: {  	v8 =	vshll.u32 v8, $0x7  }
0x3a: {  	v8 =	vor.u32 v4, v8  }
0x3b: {  	[tilespmem:$0x2040] =	vst v8  }
0x3c: {  	v8 =	vld [tilespmem:s10+$0x1050];
	_ =	sdelay $0x4  }
0x3d: {  	v8 =	vshll.u32 v8, $0x7  }
0x3e: {  	v8 =	vor.u32 v5, v8  }
0x3f: {  	[tilespmem:$0x2050] =	vst v8  }
0x40: {  	v8 =	vld [tilespmem:s10+$0x1060];
	_ =	sdelay $0x4  }
0x41: {  	v8 =	vshll.u32 v8, $0x7  }
0x42: {  	v8 =	vor.u32 v6, v8  }
0x43: {  	[tilespmem:$0x2060] =	vst v8  }
0x44: {  	v8 =	vld [tilespmem:s10+$0x1070];
	_ =	sdelay $0x4  }
0x45: {  	v8 =	vshll.u32 v8, $0x7  }
0x46: {  	v8 =	vor.u32 v7, v8  }
0x47: {  	s4 =	simm.s32 @!p1 $0x6;
	[tilespmem:$0x2070] =	vst v8  }
0x48: {  	[tilespmem:s14], [sflag:$0x1] =	stream.indirect.gather [spmem:s2], $0x80, s13, s12, $0xb8;
	[tilespmem:$0x12E00] =	vst v63  }
0x49: {  	_ =	swait.ge @!p1 [sflag:s4], $0x4000  }
0x4a: {  	[sflag:s4] =	ssyncset.done @!p1 $0x0  }
0x4b: {  	[sflag:s4] =	ssyncadd.s32 @!p1 $0xFFFFC000  }
0x4c: {  	v8 =	vld [tilespmem:s10+$0x1080];
	_ =	sdelay $0x4  }
0x4d: {  	v8 =	vshll.u32 v8, $0x7  }
0x4e: {  	v8 =	vor.u32 v0, v8  }
0x4f: {  	[tilespmem:$0x2080] =	vst v8  }
0x50: {  	v8 =	vld [tilespmem:s10+$0x1090];
	_ =	sdelay $0x4  }
0x51: {  	v8 =	vshll.u32 v8, $0x7  }
0x52: {  	v8 =	vor.u32 v1, v8  }
0x53: {  	[tilespmem:$0x2090] =	vst v8  }
0x54: {  	v8 =	vld [tilespmem:s10+$0x10A0];
	_ =	sdelay $0x4  }
0x55: {  	v8 =	vshll.u32 v8, $0x7  }
0x56: {  	v8 =	vor.u32 v2, v8  }
0x57: {  	[tilespmem:$0x20A0] =	vst v8  }
0x58: {  	v8 =	vld [tilespmem:s10+$0x10B0];
	_ =	sdelay $0x4  }
0x59: {  	v8 =	vshll.u32 v8, $0x7  }
0x5a: {  	v8 =	vor.u32 v3, v8  }
0x5b: {  	[tilespmem:$0x20B0] =	vst v8  }
0x5c: {  	v8 =	vld [tilespmem:s10+$0x10C0];
	_ =	sdelay $0x4  }
0x5d: {  	v8 =	vshll.u32 v8, $0x7  }
0x5e: {  	v8 =	vor.u32 v4, v8  }
0x5f: {  	[tilespmem:$0x20C0] =	vst v8  }
0x60: {  	v8 =	vld [tilespmem:s10+$0x10D0];
	_ =	sdelay $0x4  }
0x61: {  	v8 =	vshll.u32 v8, $0x7  }
0x62: {  	v8 =	vor.u32 v5, v8  }
0x63: {  	[tilespmem:$0x20D0] =	vst v8  }
0x64: {  	v8 =	vld [tilespmem:s10+$0x10E0];
	_ =	sdelay $0x4  }
0x65: {  	v8 =	vshll.u32 v8, $0x7  }
0x66: {  	v8 =	vor.u32 v6, v8  }
0x67: {  	[tilespmem:$0x20E0] =	vst v8  }
0x68: {  	v8 =	vld [tilespmem:s10+$0x10F0];
	_ =	sdelay $0x4  }
0x69: {  	v8 =	vshll.u32 v8, $0x7  }
0x6a: {  	v8 =	vor.u32 v7, v8  }
0x6b: {  	s4 =	simm.s32 @!p1 $0x7;
	[tilespmem:$0x20F0] =	vst v8  }
0x6c: {  	[tilespmem:s16], [sflag:$0x2] =	stream.indirect.gather [spmem:s2], $0x80, s15, s12, $0xb8;
	[tilespmem:$0x12E00] =	vst v63  }
0x6d: {  	_ =	swait.ge @!p1 [sflag:s4], $0x4000  }
0x6e: {  	[sflag:s4] =	ssyncset.done @!p1 $0x0  }
0x6f: {  	[sflag:s4] =	ssyncadd.s32 @!p1 $0xFFFFC000  }
0x70: {  	v8 =	vld [tilespmem:s10+$0x1100];
	_ =	sdelay $0x4  }
0x71: {  	v8 =	vshll.u32 v8, $0x7  }
0x72: {  	v8 =	vor.u32 v0, v8  }
0x73: {  	[tilespmem:$0x2100] =	vst v8  }
0x74: {  	v8 =	vld [tilespmem:s10+$0x1110];
	_ =	sdelay $0x4  }
0x75: {  	v8 =	vshll.u32 v8, $0x7  }
0x76: {  	v8 =	vor.u32 v1, v8  }
0x77: {  	[tilespmem:$0x2110] =	vst v8  }
0x78: {  	v8 =	vld [tilespmem:s10+$0x1120];
	_ =	sdelay $0x4  }
0x79: {  	v8 =	vshll.u32 v8, $0x7  }
0x7a: {  	v8 =	vor.u32 v2, v8  }
0x7b: {  	[tilespmem:$0x2120] =	vst v8  }
0x7c: {  	v8 =	vld [tilespmem:s10+$0x1130];
	_ =	sdelay $0x4  }
0x7d: {  	v8 =	vshll.u32 v8, $0x7  }
0x7e: {  	v8 =	vor.u32 v3, v8  }
0x7f: {  	[tilespmem:$0x2130] =	vst v8  }
0x80: {  	v8 =	vld [tilespmem:s10+$0x1140];
	_ =	sdelay $0x4  }
0x81: {  	v8 =	vshll.u32 v8, $0x7  }
0x82: {  	v8 =	vor.u32 v4, v8  }
0x83: {  	[tilespmem:$0x2140] =	vst v8  }
0x84: {  	v8 =	vld [tilespmem:s10+$0x1150];
	_ =	sdelay $0x4  }
0x85: {  	v8 =	vshll.u32 v8, $0x7  }
0x86: {  	v8 =	vor.u32 v5, v8  }
0x87: {  	[tilespmem:$0x2150] =	vst v8  }
0x88: {  	v8 =	vld [tilespmem:s10+$0x1160];
	_ =	sdelay $0x4  }
0x89: {  	v8 =	vshll.u32 v8, $0x7  }
0x8a: {  	v8 =	vor.u32 v6, v8  }
0x8b: {  	[tilespmem:$0x2160] =	vst v8  }
0x8c: {  	v8 =	vld [tilespmem:s10+$0x1170];
	_ =	sdelay $0x4  }
0x8d: {  	v8 =	vshll.u32 v8, $0x7  }
0x8e: {  	v8 =	vor.u32 v7, v8  }
0x8f: {  	s4 =	simm.s32 @!p1 $0x8;
	[tilespmem:$0x2170] =	vst v8  }
0x90: {  	[tilespmem:s18], [sflag:$0x3] =	stream.indirect.gather [spmem:s2], $0x80, s17, s12, $0xb8;
	[tilespmem:$0x12E00] =	vst v63  }
0x91: {  	_ =	swait.ge @!p1 [sflag:s4], $0x4000  }
0x92: {  	[sflag:s4] =	ssyncset.done @!p1 $0x0  }
0x93: {  	[sflag:s4] =	ssyncadd.s32 @!p1 $0xFFFFC000  }
0x94: {  	v8 =	vld [tilespmem:s10+$0x1180];
	_ =	sdelay $0x4  }
0x95: {  	v8 =	vshll.u32 v8, $0x7  }
0x96: {  	v8 =	vor.u32 v0, v8  }
0x97: {  	[tilespmem:$0x2180] =	vst v8  }
0x98: {  	v8 =	vld [tilespmem:s10+$0x1190];
	_ =	sdelay $0x4  }
0x99: {  	v8 =	vshll.u32 v8, $0x7  }
0x9a: {  	v8 =	vor.u32 v1, v8  }
0x9b: {  	[tilespmem:$0x2190] =	vst v8  }
0x9c: {  	v8 =	vld [tilespmem:s10+$0x11A0];
	_ =	sdelay $0x4  }
0x9d: {  	v8 =	vshll.u32 v8, $0x7  }
0x9e: {  	v8 =	vor.u32 v2, v8  }
0x9f: {  	[tilespmem:$0x21A0] =	vst v8  }
0xa0: {  	v8 =	vld [tilespmem:s10+$0x11B0];
	_ =	sdelay $0x4  }
0xa1: {  	v8 =	vshll.u32 v8, $0x7  }
0xa2: {  	v8 =	vor.u32 v3, v8  }
0xa3: {  	[tilespmem:$0x21B0] =	vst v8  }
0xa4: {  	v8 =	vld [tilespmem:s10+$0x11C0];
	_ =	sdelay $0x4  }
0xa5: {  	v8 =	vshll.u32 v8, $0x7  }
0xa6: {  	v8 =	vor.u32 v4, v8  }
0xa7: {  	[tilespmem:$0x21C0] =	vst v8  }
0xa8: {  	v8 =	vld [tilespmem:s10+$0x11D0];
	_ =	sdelay $0x4  }
0xa9: {  	v8 =	vshll.u32 v8, $0x7  }
0xaa: {  	v8 =	vor.u32 v5, v8  }
0xab: {  	[tilespmem:$0x21D0] =	vst v8  }
0xac: {  	v8 =	vld [tilespmem:s10+$0x11E0];
	_ =	sdelay $0x4  }
0xad: {  	v8 =	vshll.u32 v8, $0x7  }
0xae: {  	v8 =	vor.u32 v6, v8  }
0xaf: {  	[tilespmem:$0x21E0] =	vst v8  }
0xb0: {  	v8 =	vld [tilespmem:s10+$0x11F0];
	_ =	sdelay $0x4  }
0xb1: {  	v8 =	vshll.u32 v8, $0x7  }
0xb2: {  	v8 =	vor.u32 v7, v8  }
0xb3: {  	[tilespmem:$0x21F0] =	vst v8  }
0xb4: {  	[tilespmem:s20], [sflag:$0x4] =	stream.indirect.gather [spmem:s2], $0x80, s19, s12, $0xb8;
	[tilespmem:$0x12E00] =	vst v63  }
0xb5: {  	_ =	swait.ge [sflag:s21], $0x4000  }
0xb6: {  	[sflag:s21] =	ssyncset.done $0x0  }
0xb7: {  	[sflag:s21] =	ssyncadd.s32 $0xFFFFC000  }
0xb8: {  	[tilespmem:s14], [sflag:$0x1] =	stream.indirect.gather.add.f32 [hbm:s1], $0x80, s10, s12, $0xb8;
	[tilespmem:$0x12E00] =	vst v63  }
0xb9: {  	_ =	swait.ge [sflag:s22], $0x4000  }
0xba: {  	[sflag:s22] =	ssyncset.done $0x0  }
0xbb: {  	s4 =	sadd.s32 $0x80, s10;
	[sflag:s22] =	ssyncadd.s32 $0xFFFFC000  }
0xbc: {  	[tilespmem:s16], [sflag:$0x2] =	stream.indirect.gather.add.f32 [hbm:s1], $0x80, s4, s12, $0xb8;
	[tilespmem:$0x12E00] =	vst v63  }
0xbd: {  	_ =	swait.ge [sflag:s23], $0x4000  }
0xbe: {  	[sflag:s23] =	ssyncset.done $0x0  }
0xbf: {  	s4 =	sadd.s32 $0x100, s10;
	[sflag:s23] =	ssyncadd.s32 $0xFFFFC000  }
0xc0: {  	[tilespmem:s18], [sflag:$0x3] =	stream.indirect.gather.add.f32 [hbm:s1], $0x80, s4, s12, $0xb8;
	[tilespmem:$0x12E00] =	vst v63  }
0xc1: {  	_ =	swait.ge [sflag:s24], $0x4000  }
0xc2: {  	[sflag:s24] =	ssyncset.done $0x0  }
0xc3: {  	s10 =	sadd.s32 $0x180, s10;
	[sflag:s24] =	ssyncadd.s32 $0xFFFFC000  }
0xc4: {  	[tilespmem:s20], [sflag:$0x4] =	stream.indirect.gather.add.f32 [hbm:s1], $0x80, s10, s12, $0xb8;
	[tilespmem:$0x12E00] =	vst v63  }
0xc5: {  	_ =	swait.ge [sflag:s21], $0x4000  }
0xc6: {  	[sflag:s21] =	ssyncset.done $0x0  }
0xc7: {  	[sflag:s21] =	ssyncadd.s32 $0xFFFFC000  }
0xc8: {  	[hbm4b:s31+s3] =	stream.linear.scatter [tilespmem:s14], [sflag:$0x5], $0x4000, $0x38;
	[tilespmem:$0x12E00] =	vst v63  }
0xc9: {  	_ =	swait.ge [sflag:s22], $0x4000  }
0xca: {  	[sflag:s22] =	ssyncset.done $0x0  }
0xcb: {  	s10 =	sadd.s32 $0x800, s31;
	[sflag:s22] =	ssyncadd.s32 $0xFFFFC000  }
0xcc: {  	[hbm4b:s10+s3] =	stream.linear.scatter [tilespmem:s16], [sflag:$0x6], $0x4000, $0x38;
	[tilespmem:$0x12E00] =	vst v63  }
0xcd: {  	_ =	swait.ge [sflag:s23], $0x4000  }
0xce: {  	s0 =	sadd.s32 $0x800, s0;
	[sflag:s23] =	ssyncset.done $0x0  }
0xcf: {  	p1 =	sne.s32 s0, $0x4000;
	s10 =	sadd.s32 $0x1000, s31;
	[sflag:s23] =	ssyncadd.s32 $0xFFFFC000  }
0xd0: {  	[hbm4b:s10+s3] =	stream.linear.scatter [tilespmem:s18], [sflag:$0x7], $0x4000, $0x38;
	[tilespmem:$0x12E00] =	vst v63  }
.Ltmp0:
0xd1: {  	_ = 	snop;
	(pc) =	sbr.rel @p1 .LBB2_2-.Ltmp0, $4  }
0xd2: {  	_ =	swait.ge [sflag:s24], $0x4000  }
0xd3: {  	[sflag:s24] =	ssyncset.done $0x0  }
0xd4: {  	s10 =	sadd.s32 $0x1800, s31;
	s31 =	sadd.s32 $0x2000, s31;
	[sflag:s24] =	ssyncadd.s32 $0xFFFFC000  }
0xd5: {  	[hbm4b:s10+s3] =	stream.linear.scatter [tilespmem:s20], [sflag:$0x8], $0x4000, $0x38;
	[tilespmem:$0x12E00] =	vst v63  }
0xd6: {  	_ =	swait.ge [sflag:s25], $0x4000  }
0xd7: {  	[sflag:s25] =	ssyncset.done $0x0  }
0xd8: {  	[sflag:s25] =	ssyncadd.s32 $0xFFFFC000  }
0xd9: {  	_ =	swait.ge [sflag:s26], $0x4000  }
0xda: {  	[sflag:s26] =	ssyncset.done $0x0  }
0xdb: {  	s30 =	sadd.s32 $0x1, s30;
	[sflag:s26] =	ssyncadd.s32 $0xFFFFC000  }
0xdc: {  	p1 =	sne.s32 s30, s7;
	_ =	swait.ge [sflag:s28], $0x4000  }
.Ltmp1:
0xdd: {  	[sflag:s28] =	ssyncset.done $0x0;
	(pc) =	sbr.rel @p1 .LBB2_1-.Ltmp1, $4  }
0xde: {  	[sflag:s28] =	ssyncadd.s32 $0xFFFFC000  }
0xdf: {  	_ =	swait.ge [sflag:s29], $0x4000  }
0xe0: {  	[sflag:s29] =	ssyncset.done $0x0  }
0xe1: {  	[sflag:s29] =	ssyncadd.s32 $0xFFFFC000  }
0xe2: {  	_ =	sfence.sel $0x180000  }
0xe3: {  	[bflag:$0x0] =	sbarrier.arrive $0xFFFF  }
0xe4: {  	_ =	strace $0x90000047  }
0xe5: {  	[bflag:$0x2] =	sbarrier.arrive $0xFFFF  }
0xe6: {  	s0 =	rddreg [dreg:$0x6]  }
0xe7: {  	s0 =	sadd.s32 @!p0 $0x100000, s0  }
0xe8: {  	[sflag:s0] =	ssyncadd.tile.s32 @!p0 $0x1;
	_ =	shalt  }
.Lfunc_end2:
_tile_overlayer_lowered:
.L_overlay_start_2:
0xe9: {  	(tag) =	ssettag $0x2  }
0xea: {  	s0 =	rddreg [dreg:$0x0];
	s2 =	stileid.u32  }
0xeb: {  	s1 =	rddreg [dreg:$0x1];
	p0 =	sne.s32 s2, $0x0  }
0xec: {  	s3 =	rddreg [dreg:$0x2];
	[bflag:$0x3] =	sbarrier.arrive $0xFFFF;
	s2 =	simm.s32 @!p0 $0x1C09  }
0xed: {  	[timem:s3], [sflag:s2] =	dma.local @!p0 [hbm:s0], s1  }
0xee: {  	s0 =	simm.s32 @!p0 $0x9  }
0xef: {  	_ =	swait.ge @!p0 [sflag:s0], s1  }
0xf0: {  	s1 =	ssub.s32 @!p0 $0x0, s1;
	[sflag:s0] =	ssyncset.done @!p0 $0x0  }
0xf1: {  	[sflag:s0] =	ssyncadd.s32 @!p0 s1  }
0xf2: {  	[bflag:$0x3] =	sbarrier.arrive $0xFFFF  }
0xf3: {  	_ =	shalt  }

</sc_bundles>
